<compile_context>
chip_gen: v7x
topology: tpu7x:2x2x1
jax: 0.10.2.dev20260603
libtpu: 0.0.44.dev20260713+nightly
codegen_flags: <defaults>
</compile_context>

<pallas_src>
import jax
import jax.numpy as jnp
from jax import lax
from jax.experimental import pallas as pl
from jax.experimental.pallas import tpu as pltpu
from jax.experimental.pallas import tpu_sc as plsc

EMBEDDING_DIM = 128
BATCH = 16384

NUM_CORES = 2
NUM_SUBCORES = 16
NUM_WORKERS = NUM_CORES * NUM_SUBCORES

B_PER_W = BATCH // NUM_WORKERS
CHUNK = 64
N_CHUNKS = B_PER_W // CHUNK
CHUNK_SIZES = (CHUNK,) * N_CHUNKS
CHUNK_OFFS = tuple(j * CHUNK for j in range(N_CHUNKS))


def _gather_body(c_hbm, e_hbm, a_hbm, idx_hbm, out_hbm,
                 table_v, idx_v, rows_v, tsem, isem, gsem, wsem):
    sid = lax.axis_index("s")
    wid = sid * NUM_CORES + lax.axis_index("c")
    base = wid * B_PER_W
    for r, src in enumerate((c_hbm, e_hbm, a_hbm)):
        @pl.when(sid == r)
        def _(r=r, src=src):
            pltpu.async_copy(src, table_v.at[r], tsem)

    idx_copies = [
        pltpu.async_copy(
            idx_hbm.at[pl.ds(base + CHUNK_OFFS[j], CHUNK_SIZES[j])],
            idx_v.at[pl.ds(CHUNK_OFFS[j], CHUNK_SIZES[j])],
            isem,
        )
        for j in range(N_CHUNKS)
    ]
    for r, src in enumerate((c_hbm, e_hbm, a_hbm)):
        @pl.when(sid == r)
        def _(r=r, src=src):
            pltpu.make_async_copy(src, table_v.at[r], tsem).wait()

    plsc.subcore_barrier()

    gathers = []
    for j in range(N_CHUNKS):
        idx_copies[j].wait()
        gathers.append(
            pltpu.async_copy(
                table_v.at[idx_v.at[pl.ds(CHUNK_OFFS[j], CHUNK_SIZES[j])]],
                rows_v.at[pl.ds(CHUNK_OFFS[j], CHUNK_SIZES[j])],
                gsem,
            )
        )
    writes = []
    for j in range(N_CHUNKS):
        gathers[j].wait()
        writes.append(
            pltpu.async_copy(
                rows_v.at[pl.ds(CHUNK_OFFS[j], CHUNK_SIZES[j])],
                out_hbm.at[pl.ds(base + CHUNK_OFFS[j], CHUNK_SIZES[j])],
                wsem,
            )
        )
    for w in writes:
        w.wait()


@jax.jit
def _gather(cause, effect, assoc, idx):
    mesh = plsc.VectorSubcoreMesh(
        core_axis_name="c",
        subcore_axis_name="s",
        num_cores=NUM_CORES,
        num_subcores=NUM_SUBCORES,
    )
    return pl.kernel(
        _gather_body,
        out_type=jax.ShapeDtypeStruct((BATCH, EMBEDDING_DIM), jnp.float32),
        mesh=mesh,
        scratch_types=[
            pltpu.VMEM_SHARED((3, EMBEDDING_DIM), jnp.float32),
            pltpu.VMEM((B_PER_W,), jnp.int32),
            pltpu.VMEM((B_PER_W, EMBEDDING_DIM), jnp.float32),
            pltpu.SemaphoreType.DMA,
            pltpu.SemaphoreType.DMA,
            pltpu.SemaphoreType.DMA,
            pltpu.SemaphoreType.DMA,
        ],
    )(cause, effect, assoc, idx)


def kernel(event_roles, cause_embedding, effect_embedding, associated_embedding):
    return _gather(
        cause_embedding,
        effect_embedding,
        associated_embedding,
        event_roles.astype(jnp.int32),
    )

# --- scband reference (transcript-rebuilt; emitter-appended) ---
"""Pipeline reference for scband-relational-encoding-49847390437799 (READ-ONLY COPY).

The authoritative reference and input builder live on the scoring server;
editing this copy changes nothing except your own understanding.
"""

import jax, jax.numpy as jnp
import numpy as np

EMBEDDING_DIM = 128
BATCH = 16384

def setup_inputs(seed: int = 0) -> dict:
    key = jax.random.key(seed)
    k1, k2, k3, k4 = jax.random.split(key, 4)
    event_roles = jax.random.randint(k1, (BATCH,), 0, 3, dtype=jnp.int64) if jax.config.jax_enable_x64 else jax.random.randint(k1, (BATCH,), 0, 3).astype(jnp.int32)
    cause_embedding = jax.random.normal(k2, (EMBEDDING_DIM,), dtype=jnp.float32)
    effect_embedding = jax.random.normal(k3, (EMBEDDING_DIM,), dtype=jnp.float32)
    associated_embedding = jax.random.normal(k4, (EMBEDDING_DIM,), dtype=jnp.float32)
    return {
        "event_roles": event_roles,
        "cause_embedding": cause_embedding,
        "effect_embedding": effect_embedding,
        "associated_embedding": associated_embedding,
    }

def reference(event_roles, cause_embedding, effect_embedding, associated_embedding):
    # Faithful translation: role 0 -> cause, role 1 -> effect, anything else -> associated.
    # The per-row branch in the torch loop is exactly a 3-row embedding gather.
    table = jnp.stack([cause_embedding, effect_embedding, associated_embedding], axis=0)  # [3, D]
    idx = jnp.clip(event_roles, 0, 2)
    Rijk = jnp.take(table, idx, axis=0)  # [B, D]
    return Rijk

if __name__ == "__main__":
    import jax
    _d = setup_inputs()
    print(jax.jit(kernel)(*tuple(_d.values())))

</pallas_src>

<mosaic_0001>
#map = affine_map<(d0, d1) -> (0)>
#map1 = affine_map<(d0, d1) -> (0, 0)>
module attributes {stable_mosaic.version = 14 : i64} {
  func.func @_gather_body(%arg0: i32, %arg1: i32, %arg2: memref<128xf32, #tpu.memory_space<hbm>>, %arg3: memref<128xf32, #tpu.memory_space<hbm>>, %arg4: memref<128xf32, #tpu.memory_space<hbm>>, %arg5: memref<16384xi32, #tpu.memory_space<hbm>>, %arg6: memref<16384x128xf32, #tpu.memory_space<hbm>>, %arg7: memref<3x128xf32, #tpu.memory_space<vmem_shared>>, %arg8: memref<512xi32, #tpu.memory_space<vmem>>, %arg9: memref<512x128xf32, #tpu.memory_space<vmem>>, %arg10: memref<!tpu.dma_semaphore, #tpu.memory_space<semaphore_mem>>, %arg11: memref<!tpu.dma_semaphore, #tpu.memory_space<semaphore_mem>>, %arg12: memref<!tpu.dma_semaphore, #tpu.memory_space<semaphore_mem>>, %arg13: memref<!tpu.dma_semaphore, #tpu.memory_space<semaphore_mem>>) attributes {dimension_semantics = [#tpu.dimension_semantics<core_parallel>, #tpu.dimension_semantics<subcore_parallel>], iteration_bounds = array<i64: 2, 16>, scalar_prefetch = 0 : i64, scratch_operands = 7 : i64, tpu.core_type = #tpu.core_type<sc_vector_subcore>, window_params = [{transform_indices = #map}, {transform_indices = #map}, {transform_indices = #map}, {transform_indices = #map}, {transform_indices = #map1}]} {
    %mul3A = arith.constant 2 : i32
    %mul3A_0 = arith.muli %arg1, %mul3A : i32
    %add3A = arith.addi %mul3A_0, %arg0 : i32
    %mul3A_1 = arith.constant 512 : i32
    %mul3A_2 = arith.muli %add3A, %mul3A_1 : i32
    %eq3A = arith.constant 0 : i32
    %eq3A_3 = arith.cmpi eq, %arg1, %eq3A : i32
    %convert_element_type3A = arith.extui %eq3A_3 : i1 to i32
    %cond3A = arith.constant 0 : i32
    %cond3A_4 = arith.cmpi ne, %convert_element_type3A, %cond3A : i32
    scf.if %cond3A_4 {
      %dma_start3A_444 = arith.constant 0 : i32
      %dma_start3A_445 = arith.constant 0 : i32
      %dma_start3A_446 = tpu.memref_slice %arg7[%dma_start3A_444, %dma_start3A_445] : memref<3x128xf32, #tpu.memory_space<vmem_shared>> -> memref<1x128xf32, #tpu.memory_space<vmem_shared>>
      %dma_start3A_447 = tpu.memref_squeeze %dma_start3A_446 : memref<1x128xf32, #tpu.memory_space<vmem_shared>> -> memref<128xf32, #tpu.memory_space<vmem_shared>>
      tpu.enqueue_dma source(%arg2 : memref<128xf32, #tpu.memory_space<hbm>>) target(%dma_start3A_447 : memref<128xf32, #tpu.memory_space<vmem_shared>>) target_semaphore(%arg10 : memref<!tpu.dma_semaphore, #tpu.memory_space<semaphore_mem>>)
    } else {
    }
    %eq3A_5 = arith.constant 1 : i32
    %eq3A_6 = arith.cmpi eq, %arg1, %eq3A_5 : i32
    %convert_element_type3A_7 = arith.extui %eq3A_6 : i1 to i32
    %cond3A_8 = arith.constant 0 : i32
    %cond3A_9 = arith.cmpi ne, %convert_element_type3A_7, %cond3A_8 : i32
    scf.if %cond3A_9 {
      %dma_start3A_444 = arith.constant 1 : i32
      %dma_start3A_445 = arith.constant 0 : i32
      %dma_start3A_446 = tpu.memref_slice %arg7[%dma_start3A_444, %dma_start3A_445] : memref<3x128xf32, #tpu.memory_space<vmem_shared>> -> memref<1x128xf32, #tpu.memory_space<vmem_shared>>
      %dma_start3A_447 = tpu.memref_squeeze %dma_start3A_446 : memref<1x128xf32, #tpu.memory_space<vmem_shared>> -> memref<128xf32, #tpu.memory_space<vmem_shared>>
      tpu.enqueue_dma source(%arg3 : memref<128xf32, #tpu.memory_space<hbm>>) target(%dma_start3A_447 : memref<128xf32, #tpu.memory_space<vmem_shared>>) target_semaphore(%arg10 : memref<!tpu.dma_semaphore, #tpu.memory_space<semaphore_mem>>)
    } else {
    }
    %eq3A_10 = arith.constant 2 : i32
    %eq3A_11 = arith.cmpi eq, %arg1, %eq3A_10 : i32
    %convert_element_type3A_12 = arith.extui %eq3A_11 : i1 to i32
    %cond3A_13 = arith.constant 0 : i32
    %cond3A_14 = arith.cmpi ne, %convert_element_type3A_12, %cond3A_13 : i32
    scf.if %cond3A_14 {
      %dma_start3A_444 = arith.constant 2 : i32
      %dma_start3A_445 = arith.constant 0 : i32
      %dma_start3A_446 = tpu.memref_slice %arg7[%dma_start3A_444, %dma_start3A_445] : memref<3x128xf32, #tpu.memory_space<vmem_shared>> -> memref<1x128xf32, #tpu.memory_space<vmem_shared>>
      %dma_start3A_447 = tpu.memref_squeeze %dma_start3A_446 : memref<1x128xf32, #tpu.memory_space<vmem_shared>> -> memref<128xf32, #tpu.memory_space<vmem_shared>>
      tpu.enqueue_dma source(%arg4 : memref<128xf32, #tpu.memory_space<hbm>>) target(%dma_start3A_447 : memref<128xf32, #tpu.memory_space<vmem_shared>>) target_semaphore(%arg10 : memref<!tpu.dma_semaphore, #tpu.memory_space<semaphore_mem>>)
    } else {
    }
    %add3A_15 = arith.constant 0 : i32
    %add3A_16 = arith.addi %mul3A_2, %add3A_15 : i32
    %dma_start3A = arith.constant 0 : i32
    %dma_start3A_17 = tpu.memref_slice %arg8[%dma_start3A] : memref<512xi32, #tpu.memory_space<vmem>> -> memref<64xi32, #tpu.memory_space<vmem>>
    %dma_start3A_18 = tpu.memref_slice %arg5[%add3A_16] : memref<16384xi32, #tpu.memory_space<hbm>> -> memref<64xi32, #tpu.memory_space<hbm>>
    %dma_start3A_19 = arith.constant 0 : i32
    %dma_start3A_20 = tpu.memref_slice %arg8[%dma_start3A_19] : memref<512xi32, #tpu.memory_space<vmem>> -> memref<64xi32, #tpu.memory_space<vmem>>
    %dma_start3A_21 = tpu.memref_slice %arg5[%add3A_16] : memref<16384xi32, #tpu.memory_space<hbm>> -> memref<64xi32, #tpu.memory_space<hbm>>
    tpu.enqueue_dma source(%dma_start3A_21 : memref<64xi32, #tpu.memory_space<hbm>>) target(%dma_start3A_20 : memref<64xi32, #tpu.memory_space<vmem>>) target_semaphore(%arg11 : memref<!tpu.dma_semaphore, #tpu.memory_space<semaphore_mem>>)
    %add3A_22 = arith.constant 64 : i32
    %add3A_23 = arith.addi %mul3A_2, %add3A_22 : i32
    %dma_start3A_24 = arith.constant 64 : i32
    %dma_start3A_25 = tpu.memref_slice %arg8[%dma_start3A_24] : memref<512xi32, #tpu.memory_space<vmem>> -> memref<64xi32, #tpu.memory_space<vmem>>
    %dma_start3A_26 = tpu.memref_slice %arg5[%add3A_23] : memref<16384xi32, #tpu.memory_space<hbm>> -> memref<64xi32, #tpu.memory_space<hbm>>
    %dma_start3A_27 = arith.constant 64 : i32
    %dma_start3A_28 = tpu.memref_slice %arg8[%dma_start3A_27] : memref<512xi32, #tpu.memory_space<vmem>> -> memref<64xi32, #tpu.memory_space<vmem>>
    %dma_start3A_29 = tpu.memref_slice %arg5[%add3A_23] : memref<16384xi32, #tpu.memory_space<hbm>> -> memref<64xi32, #tpu.memory_space<hbm>>
    tpu.enqueue_dma source(%dma_start3A_29 : memref<64xi32, #tpu.memory_space<hbm>>) target(%dma_start3A_28 : memref<64xi32, #tpu.memory_space<vmem>>) target_semaphore(%arg11 : memref<!tpu.dma_semaphore, #tpu.memory_space<semaphore_mem>>)
    %add3A_30 = arith.constant 128 : i32
    %add3A_31 = arith.addi %mul3A_2, %add3A_30 : i32
    %dma_start3A_32 = arith.constant 128 : i32
    %dma_start3A_33 = tpu.memref_slice %arg8[%dma_start3A_32] : memref<512xi32, #tpu.memory_space<vmem>> -> memref<64xi32, #tpu.memory_space<vmem>>
    %dma_start3A_34 = tpu.memref_slice %arg5[%add3A_31] : memref<16384xi32, #tpu.memory_space<hbm>> -> memref<64xi32, #tpu.memory_space<hbm>>
    %dma_start3A_35 = arith.constant 128 : i32
    %dma_start3A_36 = tpu.memref_slice %arg8[%dma_start3A_35] : memref<512xi32, #tpu.memory_space<vmem>> -> memref<64xi32, #tpu.memory_space<vmem>>
    %dma_start3A_37 = tpu.memref_slice %arg5[%add3A_31] : memref<16384xi32, #tpu.memory_space<hbm>> -> memref<64xi32, #tpu.memory_space<hbm>>
    tpu.enqueue_dma source(%dma_start3A_37 : memref<64xi32, #tpu.memory_space<hbm>>) target(%dma_start3A_36 : memref<64xi32, #tpu.memory_space<vmem>>) target_semaphore(%arg11 : memref<!tpu.dma_semaphore, #tpu.memory_space<semaphore_mem>>)
    %add3A_38 = arith.constant 192 : i32
    %add3A_39 = arith.addi %mul3A_2, %add3A_38 : i32
    %dma_start3A_40 = arith.constant 192 : i32
    %dma_start3A_41 = tpu.memref_slice %arg8[%dma_start3A_40] : memref<512xi32, #tpu.memory_space<vmem>> -> memref<64xi32, #tpu.memory_space<vmem>>
    %dma_start3A_42 = tpu.memref_slice %arg5[%add3A_39] : memref<16384xi32, #tpu.memory_space<hbm>> -> memref<64xi32, #tpu.memory_space<hbm>>
    %dma_start3A_43 = arith.constant 192 : i32
    %dma_start3A_44 = tpu.memref_slice %arg8[%dma_start3A_43] : memref<512xi32, #tpu.memory_space<vmem>> -> memref<64xi32, #tpu.memory_space<vmem>>
    %dma_start3A_45 = tpu.memref_slice %arg5[%add3A_39] : memref<16384xi32, #tpu.memory_space<hbm>> -> memref<64xi32, #tpu.memory_space<hbm>>
    tpu.enqueue_dma source(%dma_start3A_45 : memref<64xi32, #tpu.memory_space<hbm>>) target(%dma_start3A_44 : memref<64xi32, #tpu.memory_space<vmem>>) target_semaphore(%arg11 : memref<!tpu.dma_semaphore, #tpu.memory_space<semaphore_mem>>)
    %add3A_46 = arith.constant 256 : i32
    %add3A_47 = arith.addi %mul3A_2, %add3A_46 : i32
    %dma_start3A_48 = arith.constant 256 : i32
    %dma_start3A_49 = tpu.memref_slice %arg8[%dma_start3A_48] : memref<512xi32, #tpu.memory_space<vmem>> -> memref<64xi32, #tpu.memory_space<vmem>>
    %dma_start3A_50 = tpu.memref_slice %arg5[%add3A_47] : memref<16384xi32, #tpu.memory_space<hbm>> -> memref<64xi32, #tpu.memory_space<hbm>>
    %dma_start3A_51 = arith.constant 256 : i32
    %dma_start3A_52 = tpu.memref_slice %arg8[%dma_start3A_51] : memref<512xi32, #tpu.memory_space<vmem>> -> memref<64xi32, #tpu.memory_space<vmem>>
    %dma_start3A_53 = tpu.memref_slice %arg5[%add3A_47] : memref<16384xi32, #tpu.memory_space<hbm>> -> memref<64xi32, #tpu.memory_space<hbm>>
    tpu.enqueue_dma source(%dma_start3A_53 : memref<64xi32, #tpu.memory_space<hbm>>) target(%dma_start3A_52 : memref<64xi32, #tpu.memory_space<vmem>>) target_semaphore(%arg11 : memref<!tpu.dma_semaphore, #tpu.memory_space<semaphore_mem>>)
    %add3A_54 = arith.constant 320 : i32
    %add3A_55 = arith.addi %mul3A_2, %add3A_54 : i32
    %dma_start3A_56 = arith.constant 320 : i32
    %dma_start3A_57 = tpu.memref_slice %arg8[%dma_start3A_56] : memref<512xi32, #tpu.memory_space<vmem>> -> memref<64xi32, #tpu.memory_space<vmem>>
    %dma_start3A_58 = tpu.memref_slice %arg5[%add3A_55] : memref<16384xi32, #tpu.memory_space<hbm>> -> memref<64xi32, #tpu.memory_space<hbm>>
    %dma_start3A_59 = arith.constant 320 : i32
    %dma_start3A_60 = tpu.memref_slice %arg8[%dma_start3A_59] : memref<512xi32, #tpu.memory_space<vmem>> -> memref<64xi32, #tpu.memory_space<vmem>>
    %dma_start3A_61 = tpu.memref_slice %arg5[%add3A_55] : memref<16384xi32, #tpu.memory_space<hbm>> -> memref<64xi32, #tpu.memory_space<hbm>>
    tpu.enqueue_dma source(%dma_start3A_61 : memref<64xi32, #tpu.memory_space<hbm>>) target(%dma_start3A_60 : memref<64xi32, #tpu.memory_space<vmem>>) target_semaphore(%arg11 : memref<!tpu.dma_semaphore, #tpu.memory_space<semaphore_mem>>)
    %add3A_62 = arith.constant 384 : i32
    %add3A_63 = arith.addi %mul3A_2, %add3A_62 : i32
    %dma_start3A_64 = arith.constant 384 : i32
    %dma_start3A_65 = tpu.memref_slice %arg8[%dma_start3A_64] : memref<512xi32, #tpu.memory_space<vmem>> -> memref<64xi32, #tpu.memory_space<vmem>>
    %dma_start3A_66 = tpu.memref_slice %arg5[%add3A_63] : memref<16384xi32, #tpu.memory_space<hbm>> -> memref<64xi32, #tpu.memory_space<hbm>>
    %dma_start3A_67 = arith.constant 384 : i32
    %dma_start3A_68 = tpu.memref_slice %arg8[%dma_start3A_67] : memref<512xi32, #tpu.memory_space<vmem>> -> memref<64xi32, #tpu.memory_space<vmem>>
    %dma_start3A_69 = tpu.memref_slice %arg5[%add3A_63] : memref<16384xi32, #tpu.memory_space<hbm>> -> memref<64xi32, #tpu.memory_space<hbm>>
    tpu.enqueue_dma source(%dma_start3A_69 : memref<64xi32, #tpu.memory_space<hbm>>) target(%dma_start3A_68 : memref<64xi32, #tpu.memory_space<vmem>>) target_semaphore(%arg11 : memref<!tpu.dma_semaphore, #tpu.memory_space<semaphore_mem>>)
    %add3A_70 = arith.constant 448 : i32
    %add3A_71 = arith.addi %mul3A_2, %add3A_70 : i32
    %dma_start3A_72 = arith.constant 448 : i32
    %dma_start3A_73 = tpu.memref_slice %arg8[%dma_start3A_72] : memref<512xi32, #tpu.memory_space<vmem>> -> memref<64xi32, #tpu.memory_space<vmem>>
    %dma_start3A_74 = tpu.memref_slice %arg5[%add3A_71] : memref<16384xi32, #tpu.memory_space<hbm>> -> memref<64xi32, #tpu.memory_space<hbm>>
    %dma_start3A_75 = arith.constant 448 : i32
    %dma_start3A_76 = tpu.memref_slice %arg8[%dma_start3A_75] : memref<512xi32, #tpu.memory_space<vmem>> -> memref<64xi32, #tpu.memory_space<vmem>>
    %dma_start3A_77 = tpu.memref_slice %arg5[%add3A_71] : memref<16384xi32, #tpu.memory_space<hbm>> -> memref<64xi32, #tpu.memory_space<hbm>>
    tpu.enqueue_dma source(%dma_start3A_77 : memref<64xi32, #tpu.memory_space<hbm>>) target(%dma_start3A_76 : memref<64xi32, #tpu.memory_space<vmem>>) target_semaphore(%arg11 : memref<!tpu.dma_semaphore, #tpu.memory_space<semaphore_mem>>)
    %eq3A_78 = arith.constant 0 : i32
    %eq3A_79 = arith.cmpi eq, %arg1, %eq3A_78 : i32
    %convert_element_type3A_80 = arith.extui %eq3A_79 : i1 to i32
    %cond3A_81 = arith.constant 0 : i32
    %cond3A_82 = arith.cmpi ne, %convert_element_type3A_80, %cond3A_81 : i32
    scf.if %cond3A_82 {
      %dma_wait3A_444 = arith.constant 0 : i32
      %dma_wait3A_445 = arith.constant 0 : i32
      %dma_wait3A_446 = tpu.memref_slice %arg7[%dma_wait3A_444, %dma_wait3A_445] : memref<3x128xf32, #tpu.memory_space<vmem_shared>> -> memref<1x128xf32, #tpu.memory_space<vmem_shared>>
      %dma_wait3A_447 = tpu.memref_squeeze %dma_wait3A_446 : memref<1x128xf32, #tpu.memory_space<vmem_shared>> -> memref<128xf32, #tpu.memory_space<vmem_shared>>
      tpu.wait_dma2 semaphore(%arg10 : memref<!tpu.dma_semaphore, #tpu.memory_space<semaphore_mem>>) src(%arg2 : memref<128xf32, #tpu.memory_space<hbm>>) dst(%dma_wait3A_447 : memref<128xf32, #tpu.memory_space<vmem_shared>>)
    } else {
    }
    %eq3A_83 = arith.constant 1 : i32
    %eq3A_84 = arith.cmpi eq, %arg1, %eq3A_83 : i32
    %convert_element_type3A_85 = arith.extui %eq3A_84 : i1 to i32
    %cond3A_86 = arith.constant 0 : i32
    %cond3A_87 = arith.cmpi ne, %convert_element_type3A_85, %cond3A_86 : i32
    scf.if %cond3A_87 {
      %dma_wait3A_444 = arith.constant 1 : i32
      %dma_wait3A_445 = arith.constant 0 : i32
      %dma_wait3A_446 = tpu.memref_slice %arg7[%dma_wait3A_444, %dma_wait3A_445] : memref<3x128xf32, #tpu.memory_space<vmem_shared>> -> memref<1x128xf32, #tpu.memory_space<vmem_shared>>
      %dma_wait3A_447 = tpu.memref_squeeze %dma_wait3A_446 : memref<1x128xf32, #tpu.memory_space<vmem_shared>> -> memref<128xf32, #tpu.memory_space<vmem_shared>>
      tpu.wait_dma2 semaphore(%arg10 : memref<!tpu.dma_semaphore, #tpu.memory_space<semaphore_mem>>) src(%arg3 : memref<128xf32, #tpu.memory_space<hbm>>) dst(%dma_wait3A_447 : memref<128xf32, #tpu.memory_space<vmem_shared>>)
    } else {
    }
    %eq3A_88 = arith.constant 2 : i32
    %eq3A_89 = arith.cmpi eq, %arg1, %eq3A_88 : i32
    %convert_element_type3A_90 = arith.extui %eq3A_89 : i1 to i32
    %cond3A_91 = arith.constant 0 : i32
    %cond3A_92 = arith.cmpi ne, %convert_element_type3A_90, %cond3A_91 : i32
    scf.if %cond3A_92 {
      %dma_wait3A_444 = arith.constant 2 : i32
      %dma_wait3A_445 = arith.constant 0 : i32
      %dma_wait3A_446 = tpu.memref_slice %arg7[%dma_wait3A_444, %dma_wait3A_445] : memref<3x128xf32, #tpu.memory_space<vmem_shared>> -> memref<1x128xf32, #tpu.memory_space<vmem_shared>>
      %dma_wait3A_447 = tpu.memref_squeeze %dma_wait3A_446 : memref<1x128xf32, #tpu.memory_space<vmem_shared>> -> memref<128xf32, #tpu.memory_space<vmem_shared>>
      tpu.wait_dma2 semaphore(%arg10 : memref<!tpu.dma_semaphore, #tpu.memory_space<semaphore_mem>>) src(%arg4 : memref<128xf32, #tpu.memory_space<hbm>>) dst(%dma_wait3A_447 : memref<128xf32, #tpu.memory_space<vmem_shared>>)
    } else {
    }
    %barrier3A = arith.constant 0 : index
    tpu.barrier barrier_id(%barrier3A)
    %dma_wait3A = arith.constant 0 : i32
    %dma_wait3A_93 = tpu.memref_slice %arg8[%dma_wait3A] : memref<512xi32, #tpu.memory_space<vmem>> -> memref<64xi32, #tpu.memory_space<vmem>>
    %dma_wait3A_94 = tpu.memref_slice %arg5[%add3A_16] : memref<16384xi32, #tpu.memory_space<hbm>> -> memref<64xi32, #tpu.memory_space<hbm>>
    %dma_wait3A_95 = arith.constant 0 : i32
    %dma_wait3A_96 = tpu.memref_slice %arg8[%dma_wait3A_95] : memref<512xi32, #tpu.memory_space<vmem>> -> memref<64xi32, #tpu.memory_space<vmem>>
    %dma_wait3A_97 = tpu.memref_slice %arg5[%add3A_16] : memref<16384xi32, #tpu.memory_space<hbm>> -> memref<64xi32, #tpu.memory_space<hbm>>
    tpu.wait_dma2 semaphore(%arg11 : memref<!tpu.dma_semaphore, #tpu.memory_space<semaphore_mem>>) src(%dma_wait3A_97 : memref<64xi32, #tpu.memory_space<hbm>>) dst(%dma_wait3A_96 : memref<64xi32, #tpu.memory_space<vmem>>)
    %dma_start3A_98 = arith.constant 0 : i32
    %dma_start3A_99 = arith.constant 0 : i32
    %dma_start3A_100 = tpu.memref_slice %arg9[%dma_start3A_98, %dma_start3A_99] : memref<512x128xf32, #tpu.memory_space<vmem>> -> memref<64x128xf32, #tpu.memory_space<vmem>>
    %dma_start3A_101 = arith.constant 0 : i32
    %dma_start3A_102 = tpu.memref_slice %arg8[%dma_start3A_101] : memref<512xi32, #tpu.memory_space<vmem>> -> memref<64xi32, #tpu.memory_space<vmem>>
    %dma_start3A_103 = arith.constant 0 : i32
    %dma_start3A_104 = arith.constant 0 : i32
    %dma_start3A_105 = tpu.memref_slice %arg7[%dma_start3A_103, %dma_start3A_104] : memref<3x128xf32, #tpu.memory_space<vmem_shared>> -> memref<3x128xf32, #tpu.memory_space<vmem_shared>>
    tpu.enqueue_indirect_dma source(%dma_start3A_105 : memref<3x128xf32, #tpu.memory_space<vmem_shared>>) target(%dma_start3A_100 : memref<64x128xf32, #tpu.memory_space<vmem>>) offsets(%dma_start3A_102 : memref<64xi32, #tpu.memory_space<vmem>>) semaphore(%arg12 : memref<!tpu.dma_semaphore, #tpu.memory_space<semaphore_mem>>)
    %dma_wait3A_106 = arith.constant 64 : i32
    %dma_wait3A_107 = tpu.memref_slice %arg8[%dma_wait3A_106] : memref<512xi32, #tpu.memory_space<vmem>> -> memref<64xi32, #tpu.memory_space<vmem>>
    %dma_wait3A_108 = tpu.memref_slice %arg5[%add3A_23] : memref<16384xi32, #tpu.memory_space<hbm>> -> memref<64xi32, #tpu.memory_space<hbm>>
    %dma_wait3A_109 = arith.constant 64 : i32
    %dma_wait3A_110 = tpu.memref_slice %arg8[%dma_wait3A_109] : memref<512xi32, #tpu.memory_space<vmem>> -> memref<64xi32, #tpu.memory_space<vmem>>
    %dma_wait3A_111 = tpu.memref_slice %arg5[%add3A_23] : memref<16384xi32, #tpu.memory_space<hbm>> -> memref<64xi32, #tpu.memory_space<hbm>>
    tpu.wait_dma2 semaphore(%arg11 : memref<!tpu.dma_semaphore, #tpu.memory_space<semaphore_mem>>) src(%dma_wait3A_111 : memref<64xi32, #tpu.memory_space<hbm>>) dst(%dma_wait3A_110 : memref<64xi32, #tpu.memory_space<vmem>>)
    %dma_start3A_112 = arith.constant 64 : i32
    %dma_start3A_113 = arith.constant 0 : i32
    %dma_start3A_114 = tpu.memref_slice %arg9[%dma_start3A_112, %dma_start3A_113] : memref<512x128xf32, #tpu.memory_space<vmem>> -> memref<64x128xf32, #tpu.memory_space<vmem>>
    %dma_start3A_115 = arith.constant 64 : i32
    %dma_start3A_116 = tpu.memref_slice %arg8[%dma_start3A_115] : memref<512xi32, #tpu.memory_space<vmem>> -> memref<64xi32, #tpu.memory_space<vmem>>
    %dma_start3A_117 = arith.constant 0 : i32
    %dma_start3A_118 = arith.constant 0 : i32
    %dma_start3A_119 = tpu.memref_slice %arg7[%dma_start3A_117, %dma_start3A_118] : memref<3x128xf32, #tpu.memory_space<vmem_shared>> -> memref<3x128xf32, #tpu.memory_space<vmem_shared>>
    tpu.enqueue_indirect_dma source(%dma_start3A_119 : memref<3x128xf32, #tpu.memory_space<vmem_shared>>) target(%dma_start3A_114 : memref<64x128xf32, #tpu.memory_space<vmem>>) offsets(%dma_start3A_116 : memref<64xi32, #tpu.memory_space<vmem>>) semaphore(%arg12 : memref<!tpu.dma_semaphore, #tpu.memory_space<semaphore_mem>>)
    %dma_wait3A_120 = arith.constant 128 : i32
    %dma_wait3A_121 = tpu.memref_slice %arg8[%dma_wait3A_120] : memref<512xi32, #tpu.memory_space<vmem>> -> memref<64xi32, #tpu.memory_space<vmem>>
    %dma_wait3A_122 = tpu.memref_slice %arg5[%add3A_31] : memref<16384xi32, #tpu.memory_space<hbm>> -> memref<64xi32, #tpu.memory_space<hbm>>
    %dma_wait3A_123 = arith.constant 128 : i32
    %dma_wait3A_124 = tpu.memref_slice %arg8[%dma_wait3A_123] : memref<512xi32, #tpu.memory_space<vmem>> -> memref<64xi32, #tpu.memory_space<vmem>>
    %dma_wait3A_125 = tpu.memref_slice %arg5[%add3A_31] : memref<16384xi32, #tpu.memory_space<hbm>> -> memref<64xi32, #tpu.memory_space<hbm>>
    tpu.wait_dma2 semaphore(%arg11 : memref<!tpu.dma_semaphore, #tpu.memory_space<semaphore_mem>>) src(%dma_wait3A_125 : memref<64xi32, #tpu.memory_space<hbm>>) dst(%dma_wait3A_124 : memref<64xi32, #tpu.memory_space<vmem>>)
    %dma_start3A_126 = arith.constant 128 : i32
    %dma_start3A_127 = arith.constant 0 : i32
    %dma_start3A_128 = tpu.memref_slice %arg9[%dma_start3A_126, %dma_start3A_127] : memref<512x128xf32, #tpu.memory_space<vmem>> -> memref<64x128xf32, #tpu.memory_space<vmem>>
    %dma_start3A_129 = arith.constant 128 : i32
    %dma_start3A_130 = tpu.memref_slice %arg8[%dma_start3A_129] : memref<512xi32, #tpu.memory_space<vmem>> -> memref<64xi32, #tpu.memory_space<vmem>>
    %dma_start3A_131 = arith.constant 0 : i32
    %dma_start3A_132 = arith.constant 0 : i32
    %dma_start3A_133 = tpu.memref_slice %arg7[%dma_start3A_131, %dma_start3A_132] : memref<3x128xf32, #tpu.memory_space<vmem_shared>> -> memref<3x128xf32, #tpu.memory_space<vmem_shared>>
    tpu.enqueue_indirect_dma source(%dma_start3A_133 : memref<3x128xf32, #tpu.memory_space<vmem_shared>>) target(%dma_start3A_128 : memref<64x128xf32, #tpu.memory_space<vmem>>) offsets(%dma_start3A_130 : memref<64xi32, #tpu.memory_space<vmem>>) semaphore(%arg12 : memref<!tpu.dma_semaphore, #tpu.memory_space<semaphore_mem>>)
    %dma_wait3A_134 = arith.constant 192 : i32
    %dma_wait3A_135 = tpu.memref_slice %arg8[%dma_wait3A_134] : memref<512xi32, #tpu.memory_space<vmem>> -> memref<64xi32, #tpu.memory_space<vmem>>
    %dma_wait3A_136 = tpu.memref_slice %arg5[%add3A_39] : memref<16384xi32, #tpu.memory_space<hbm>> -> memref<64xi32, #tpu.memory_space<hbm>>
    %dma_wait3A_137 = arith.constant 192 : i32
    %dma_wait3A_138 = tpu.memref_slice %arg8[%dma_wait3A_137] : memref<512xi32, #tpu.memory_space<vmem>> -> memref<64xi32, #tpu.memory_space<vmem>>
    %dma_wait3A_139 = tpu.memref_slice %arg5[%add3A_39] : memref<16384xi32, #tpu.memory_space<hbm>> -> memref<64xi32, #tpu.memory_space<hbm>>
    tpu.wait_dma2 semaphore(%arg11 : memref<!tpu.dma_semaphore, #tpu.memory_space<semaphore_mem>>) src(%dma_wait3A_139 : memref<64xi32, #tpu.memory_space<hbm>>) dst(%dma_wait3A_138 : memref<64xi32, #tpu.memory_space<vmem>>)
    %dma_start3A_140 = arith.constant 192 : i32
    %dma_start3A_141 = arith.constant 0 : i32
    %dma_start3A_142 = tpu.memref_slice %arg9[%dma_start3A_140, %dma_start3A_141] : memref<512x128xf32, #tpu.memory_space<vmem>> -> memref<64x128xf32, #tpu.memory_space<vmem>>
    %dma_start3A_143 = arith.constant 192 : i32
    %dma_start3A_144 = tpu.memref_slice %arg8[%dma_start3A_143] : memref<512xi32, #tpu.memory_space<vmem>> -> memref<64xi32, #tpu.memory_space<vmem>>
    %dma_start3A_145 = arith.constant 0 : i32
    %dma_start3A_146 = arith.constant 0 : i32
    %dma_start3A_147 = tpu.memref_slice %arg7[%dma_start3A_145, %dma_start3A_146] : memref<3x128xf32, #tpu.memory_space<vmem_shared>> -> memref<3x128xf32, #tpu.memory_space<vmem_shared>>
    tpu.enqueue_indirect_dma source(%dma_start3A_147 : memref<3x128xf32, #tpu.memory_space<vmem_shared>>) target(%dma_start3A_142 : memref<64x128xf32, #tpu.memory_space<vmem>>) offsets(%dma_start3A_144 : memref<64xi32, #tpu.memory_space<vmem>>) semaphore(%arg12 : memref<!tpu.dma_semaphore, #tpu.memory_space<semaphore_mem>>)
    %dma_wait3A_148 = arith.constant 256 : i32
    %dma_wait3A_149 = tpu.memref_slice %arg8[%dma_wait3A_148] : memref<512xi32, #tpu.memory_space<vmem>> -> memref<64xi32, #tpu.memory_space<vmem>>
    %dma_wait3A_150 = tpu.memref_slice %arg5[%add3A_47] : memref<16384xi32, #tpu.memory_space<hbm>> -> memref<64xi32, #tpu.memory_space<hbm>>
    %dma_wait3A_151 = arith.constant 256 : i32
    %dma_wait3A_152 = tpu.memref_slice %arg8[%dma_wait3A_151] : memref<512xi32, #tpu.memory_space<vmem>> -> memref<64xi32, #tpu.memory_space<vmem>>
    %dma_wait3A_153 = tpu.memref_slice %arg5[%add3A_47] : memref<16384xi32, #tpu.memory_space<hbm>> -> memref<64xi32, #tpu.memory_space<hbm>>
    tpu.wait_dma2 semaphore(%arg11 : memref<!tpu.dma_semaphore, #tpu.memory_space<semaphore_mem>>) src(%dma_wait3A_153 : memref<64xi32, #tpu.memory_space<hbm>>) dst(%dma_wait3A_152 : memref<64xi32, #tpu.memory_space<vmem>>)
    %dma_start3A_154 = arith.constant 256 : i32
    %dma_start3A_155 = arith.constant 0 : i32
    %dma_start3A_156 = tpu.memref_slice %arg9[%dma_start3A_154, %dma_start3A_155] : memref<512x128xf32, #tpu.memory_space<vmem>> -> memref<64x128xf32, #tpu.memory_space<vmem>>
    %dma_start3A_157 = arith.constant 256 : i32
    %dma_start3A_158 = tpu.memref_slice %arg8[%dma_start3A_157] : memref<512xi32, #tpu.memory_space<vmem>> -> memref<64xi32, #tpu.memory_space<vmem>>
    %dma_start3A_159 = arith.constant 0 : i32
    %dma_start3A_160 = arith.constant 0 : i32
    %dma_start3A_161 = tpu.memref_slice %arg7[%dma_start3A_159, %dma_start3A_160] : memref<3x128xf32, #tpu.memory_space<vmem_shared>> -> memref<3x128xf32, #tpu.memory_space<vmem_shared>>
    tpu.enqueue_indirect_dma source(%dma_start3A_161 : memref<3x128xf32, #tpu.memory_space<vmem_shared>>) target(%dma_start3A_156 : memref<64x128xf32, #tpu.memory_space<vmem>>) offsets(%dma_start3A_158 : memref<64xi32, #tpu.memory_space<vmem>>) semaphore(%arg12 : memref<!tpu.dma_semaphore, #tpu.memory_space<semaphore_mem>>)
    %dma_wait3A_162 = arith.constant 320 : i32
    %dma_wait3A_163 = tpu.memref_slice %arg8[%dma_wait3A_162] : memref<512xi32, #tpu.memory_space<vmem>> -> memref<64xi32, #tpu.memory_space<vmem>>
    %dma_wait3A_164 = tpu.memref_slice %arg5[%add3A_55] : memref<16384xi32, #tpu.memory_space<hbm>> -> memref<64xi32, #tpu.memory_space<hbm>>
    %dma_wait3A_165 = arith.constant 320 : i32
    %dma_wait3A_166 = tpu.memref_slice %arg8[%dma_wait3A_165] : memref<512xi32, #tpu.memory_space<vmem>> -> memref<64xi32, #tpu.memory_space<vmem>>
    %dma_wait3A_167 = tpu.memref_slice %arg5[%add3A_55] : memref<16384xi32, #tpu.memory_space<hbm>> -> memref<64xi32, #tpu.memory_space<hbm>>
    tpu.wait_dma2 semaphore(%arg11 : memref<!tpu.dma_semaphore, #tpu.memory_space<semaphore_mem>>) src(%dma_wait3A_167 : memref<64xi32, #tpu.memory_space<hbm>>) dst(%dma_wait3A_166 : memref<64xi32, #tpu.memory_space<vmem>>)
    %dma_start3A_168 = arith.constant 320 : i32
    %dma_start3A_169 = arith.constant 0 : i32
    %dma_start3A_170 = tpu.memref_slice %arg9[%dma_start3A_168, %dma_start3A_169] : memref<512x128xf32, #tpu.memory_space<vmem>> -> memref<64x128xf32, #tpu.memory_space<vmem>>
    %dma_start3A_171 = arith.constant 320 : i32
    %dma_start3A_172 = tpu.memref_slice %arg8[%dma_start3A_171] : memref<512xi32, #tpu.memory_space<vmem>> -> memref<64xi32, #tpu.memory_space<vmem>>
    %dma_start3A_173 = arith.constant 0 : i32
    %dma_start3A_174 = arith.constant 0 : i32
    %dma_start3A_175 = tpu.memref_slice %arg7[%dma_start3A_173, %dma_start3A_174] : memref<3x128xf32, #tpu.memory_space<vmem_shared>> -> memref<3x128xf32, #tpu.memory_space<vmem_shared>>
    tpu.enqueue_indirect_dma source(%dma_start3A_175 : memref<3x128xf32, #tpu.memory_space<vmem_shared>>) target(%dma_start3A_170 : memref<64x128xf32, #tpu.memory_space<vmem>>) offsets(%dma_start3A_172 : memref<64xi32, #tpu.memory_space<vmem>>) semaphore(%arg12 : memref<!tpu.dma_semaphore, #tpu.memory_space<semaphore_mem>>)
    %dma_wait3A_176 = arith.constant 384 : i32
    %dma_wait3A_177 = tpu.memref_slice %arg8[%dma_wait3A_176] : memref<512xi32, #tpu.memory_space<vmem>> -> memref<64xi32, #tpu.memory_space<vmem>>
    %dma_wait3A_178 = tpu.memref_slice %arg5[%add3A_63] : memref<16384xi32, #tpu.memory_space<hbm>> -> memref<64xi32, #tpu.memory_space<hbm>>
    %dma_wait3A_179 = arith.constant 384 : i32
    %dma_wait3A_180 = tpu.memref_slice %arg8[%dma_wait3A_179] : memref<512xi32, #tpu.memory_space<vmem>> -> memref<64xi32, #tpu.memory_space<vmem>>
    %dma_wait3A_181 = tpu.memref_slice %arg5[%add3A_63] : memref<16384xi32, #tpu.memory_space<hbm>> -> memref<64xi32, #tpu.memory_space<hbm>>
    tpu.wait_dma2 semaphore(%arg11 : memref<!tpu.dma_semaphore, #tpu.memory_space<semaphore_mem>>) src(%dma_wait3A_181 : memref<64xi32, #tpu.memory_space<hbm>>) dst(%dma_wait3A_180 : memref<64xi32, #tpu.memory_space<vmem>>)
    %dma_start3A_182 = arith.constant 384 : i32
    %dma_start3A_183 = arith.constant 0 : i32
    %dma_start3A_184 = tpu.memref_slice %arg9[%dma_start3A_182, %dma_start3A_183] : memref<512x128xf32, #tpu.memory_space<vmem>> -> memref<64x128xf32, #tpu.memory_space<vmem>>
    %dma_start3A_185 = arith.constant 384 : i32
    %dma_start3A_186 = tpu.memref_slice %arg8[%dma_start3A_185] : memref<512xi32, #tpu.memory_space<vmem>> -> memref<64xi32, #tpu.memory_space<vmem>>
    %dma_start3A_187 = arith.constant 0 : i32
    %dma_start3A_188 = arith.constant 0 : i32
    %dma_start3A_189 = tpu.memref_slice %arg7[%dma_start3A_187, %dma_start3A_188] : memref<3x128xf32, #tpu.memory_space<vmem_shared>> -> memref<3x128xf32, #tpu.memory_space<vmem_shared>>
    tpu.enqueue_indirect_dma source(%dma_start3A_189 : memref<3x128xf32, #tpu.memory_space<vmem_shared>>) target(%dma_start3A_184 : memref<64x128xf32, #tpu.memory_space<vmem>>) offsets(%dma_start3A_186 : memref<64xi32, #tpu.memory_space<vmem>>) semaphore(%arg12 : memref<!tpu.dma_semaphore, #tpu.memory_space<semaphore_mem>>)
    %dma_wait3A_190 = arith.constant 448 : i32
    %dma_wait3A_191 = tpu.memref_slice %arg8[%dma_wait3A_190] : memref<512xi32, #tpu.memory_space<vmem>> -> memref<64xi32, #tpu.memory_space<vmem>>
    %dma_wait3A_192 = tpu.memref_slice %arg5[%add3A_71] : memref<16384xi32, #tpu.memory_space<hbm>> -> memref<64xi32, #tpu.memory_space<hbm>>
    %dma_wait3A_193 = arith.constant 448 : i32
    %dma_wait3A_194 = tpu.memref_slice %arg8[%dma_wait3A_193] : memref<512xi32, #tpu.memory_space<vmem>> -> memref<64xi32, #tpu.memory_space<vmem>>
    %dma_wait3A_195 = tpu.memref_slice %arg5[%add3A_71] : memref<16384xi32, #tpu.memory_space<hbm>> -> memref<64xi32, #tpu.memory_space<hbm>>
    tpu.wait_dma2 semaphore(%arg11 : memref<!tpu.dma_semaphore, #tpu.memory_space<semaphore_mem>>) src(%dma_wait3A_195 : memref<64xi32, #tpu.memory_space<hbm>>) dst(%dma_wait3A_194 : memref<64xi32, #tpu.memory_space<vmem>>)
    %dma_start3A_196 = arith.constant 448 : i32
    %dma_start3A_197 = arith.constant 0 : i32
    %dma_start3A_198 = tpu.memref_slice %arg9[%dma_start3A_196, %dma_start3A_197] : memref<512x128xf32, #tpu.memory_space<vmem>> -> memref<64x128xf32, #tpu.memory_space<vmem>>
    %dma_start3A_199 = arith.constant 448 : i32
    %dma_start3A_200 = tpu.memref_slice %arg8[%dma_start3A_199] : memref<512xi32, #tpu.memory_space<vmem>> -> memref<64xi32, #tpu.memory_space<vmem>>
    %dma_start3A_201 = arith.constant 0 : i32
    %dma_start3A_202 = arith.constant 0 : i32
    %dma_start3A_203 = tpu.memref_slice %arg7[%dma_start3A_201, %dma_start3A_202] : memref<3x128xf32, #tpu.memory_space<vmem_shared>> -> memref<3x128xf32, #tpu.memory_space<vmem_shared>>
    tpu.enqueue_indirect_dma source(%dma_start3A_203 : memref<3x128xf32, #tpu.memory_space<vmem_shared>>) target(%dma_start3A_198 : memref<64x128xf32, #tpu.memory_space<vmem>>) offsets(%dma_start3A_200 : memref<64xi32, #tpu.memory_space<vmem>>) semaphore(%arg12 : memref<!tpu.dma_semaphore, #tpu.memory_space<semaphore_mem>>)
    %dma_wait3A_204 = arith.constant 0 : i32
    %dma_wait3A_205 = arith.constant 0 : i32
    %dma_wait3A_206 = tpu.memref_slice %arg9[%dma_wait3A_204, %dma_wait3A_205] : memref<512x128xf32, #tpu.memory_space<vmem>> -> memref<64x128xf32, #tpu.memory_space<vmem>>
    %dma_wait3A_207 = arith.constant 0 : i32
    %dma_wait3A_208 = tpu.memref_slice %arg8[%dma_wait3A_207] : memref<512xi32, #tpu.memory_space<vmem>> -> memref<64xi32, #tpu.memory_space<vmem>>
    %dma_wait3A_209 = arith.constant 0 : i32
    %dma_wait3A_210 = arith.constant 0 : i32
    %dma_wait3A_211 = tpu.memref_slice %arg7[%dma_wait3A_209, %dma_wait3A_210] : memref<3x128xf32, #tpu.memory_space<vmem_shared>> -> memref<3x128xf32, #tpu.memory_space<vmem_shared>>
    tpu.wait_indirect_dma semaphore(%arg12 : memref<!tpu.dma_semaphore, #tpu.memory_space<semaphore_mem>>) src(%dma_wait3A_211 : memref<3x128xf32, #tpu.memory_space<vmem_shared>>) dst(%dma_wait3A_206 : memref<64x128xf32, #tpu.memory_space<vmem>>)
    %add3A_212 = arith.constant 0 : i32
    %add3A_213 = arith.addi %mul3A_2, %add3A_212 : i32
    %dma_start3A_214 = arith.constant 0 : i32
    %dma_start3A_215 = arith.constant 0 : i32
    %dma_start3A_216 = tpu.memref_slice %arg9[%dma_start3A_214, %dma_start3A_215] : memref<512x128xf32, #tpu.memory_space<vmem>> -> memref<64x128xf32, #tpu.memory_space<vmem>>
    %dma_start3A_217 = arith.constant 0 : i32
    %dma_start3A_218 = tpu.memref_slice %arg6[%add3A_213, %dma_start3A_217] : memref<16384x128xf32, #tpu.memory_space<hbm>> -> memref<64x128xf32, #tpu.memory_space<hbm>>
    %dma_start3A_219 = arith.constant 0 : i32
    %dma_start3A_220 = tpu.memref_slice %arg6[%add3A_213, %dma_start3A_219] : memref<16384x128xf32, #tpu.memory_space<hbm>> -> memref<64x128xf32, #tpu.memory_space<hbm>>
    %dma_start3A_221 = arith.constant 0 : i32
    %dma_start3A_222 = arith.constant 0 : i32
    %dma_start3A_223 = tpu.memref_slice %arg9[%dma_start3A_221, %dma_start3A_222] : memref<512x128xf32, #tpu.memory_space<vmem>> -> memref<64x128xf32, #tpu.memory_space<vmem>>
    tpu.enqueue_dma source(%dma_start3A_223 : memref<64x128xf32, #tpu.memory_space<vmem>>) target(%dma_start3A_220 : memref<64x128xf32, #tpu.memory_space<hbm>>) target_semaphore(%arg13 : memref<!tpu.dma_semaphore, #tpu.memory_space<semaphore_mem>>)
    %dma_wait3A_224 = arith.constant 64 : i32
    %dma_wait3A_225 = arith.constant 0 : i32
    %dma_wait3A_226 = tpu.memref_slice %arg9[%dma_wait3A_224, %dma_wait3A_225] : memref<512x128xf32, #tpu.memory_space<vmem>> -> memref<64x128xf32, #tpu.memory_space<vmem>>
    %dma_wait3A_227 = arith.constant 64 : i32
    %dma_wait3A_228 = tpu.memref_slice %arg8[%dma_wait3A_227] : memref<512xi32, #tpu.memory_space<vmem>> -> memref<64xi32, #tpu.memory_space<vmem>>
    %dma_wait3A_229 = arith.constant 0 : i32
    %dma_wait3A_230 = arith.constant 0 : i32
    %dma_wait3A_231 = tpu.memref_slice %arg7[%dma_wait3A_229, %dma_wait3A_230] : memref<3x128xf32, #tpu.memory_space<vmem_shared>> -> memref<3x128xf32, #tpu.memory_space<vmem_shared>>
    tpu.wait_indirect_dma semaphore(%arg12 : memref<!tpu.dma_semaphore, #tpu.memory_space<semaphore_mem>>) src(%dma_wait3A_231 : memref<3x128xf32, #tpu.memory_space<vmem_shared>>) dst(%dma_wait3A_226 : memref<64x128xf32, #tpu.memory_space<vmem>>)
    %add3A_232 = arith.constant 64 : i32
    %add3A_233 = arith.addi %mul3A_2, %add3A_232 : i32
    %dma_start3A_234 = arith.constant 64 : i32
    %dma_start3A_235 = arith.constant 0 : i32
    %dma_start3A_236 = tpu.memref_slice %arg9[%dma_start3A_234, %dma_start3A_235] : memref<512x128xf32, #tpu.memory_space<vmem>> -> memref<64x128xf32, #tpu.memory_space<vmem>>
    %dma_start3A_237 = arith.constant 0 : i32
    %dma_start3A_238 = tpu.memref_slice %arg6[%add3A_233, %dma_start3A_237] : memref<16384x128xf32, #tpu.memory_space<hbm>> -> memref<64x128xf32, #tpu.memory_space<hbm>>
    %dma_start3A_239 = arith.constant 0 : i32
    %dma_start3A_240 = tpu.memref_slice %arg6[%add3A_233, %dma_start3A_239] : memref<16384x128xf32, #tpu.memory_space<hbm>> -> memref<64x128xf32, #tpu.memory_space<hbm>>
    %dma_start3A_241 = arith.constant 64 : i32
    %dma_start3A_242 = arith.constant 0 : i32
    %dma_start3A_243 = tpu.memref_slice %arg9[%dma_start3A_241, %dma_start3A_242] : memref<512x128xf32, #tpu.memory_space<vmem>> -> memref<64x128xf32, #tpu.memory_space<vmem>>
    tpu.enqueue_dma source(%dma_start3A_243 : memref<64x128xf32, #tpu.memory_space<vmem>>) target(%dma_start3A_240 : memref<64x128xf32, #tpu.memory_space<hbm>>) target_semaphore(%arg13 : memref<!tpu.dma_semaphore, #tpu.memory_space<semaphore_mem>>)
    %dma_wait3A_244 = arith.constant 128 : i32
    %dma_wait3A_245 = arith.constant 0 : i32
    %dma_wait3A_246 = tpu.memref_slice %arg9[%dma_wait3A_244, %dma_wait3A_245] : memref<512x128xf32, #tpu.memory_space<vmem>> -> memref<64x128xf32, #tpu.memory_space<vmem>>
    %dma_wait3A_247 = arith.constant 128 : i32
    %dma_wait3A_248 = tpu.memref_slice %arg8[%dma_wait3A_247] : memref<512xi32, #tpu.memory_space<vmem>> -> memref<64xi32, #tpu.memory_space<vmem>>
    %dma_wait3A_249 = arith.constant 0 : i32
    %dma_wait3A_250 = arith.constant 0 : i32
    %dma_wait3A_251 = tpu.memref_slice %arg7[%dma_wait3A_249, %dma_wait3A_250] : memref<3x128xf32, #tpu.memory_space<vmem_shared>> -> memref<3x128xf32, #tpu.memory_space<vmem_shared>>
    tpu.wait_indirect_dma semaphore(%arg12 : memref<!tpu.dma_semaphore, #tpu.memory_space<semaphore_mem>>) src(%dma_wait3A_251 : memref<3x128xf32, #tpu.memory_space<vmem_shared>>) dst(%dma_wait3A_246 : memref<64x128xf32, #tpu.memory_space<vmem>>)
    %add3A_252 = arith.constant 128 : i32
    %add3A_253 = arith.addi %mul3A_2, %add3A_252 : i32
    %dma_start3A_254 = arith.constant 128 : i32
    %dma_start3A_255 = arith.constant 0 : i32
    %dma_start3A_256 = tpu.memref_slice %arg9[%dma_start3A_254, %dma_start3A_255] : memref<512x128xf32, #tpu.memory_space<vmem>> -> memref<64x128xf32, #tpu.memory_space<vmem>>
    %dma_start3A_257 = arith.constant 0 : i32
    %dma_start3A_258 = tpu.memref_slice %arg6[%add3A_253, %dma_start3A_257] : memref<16384x128xf32, #tpu.memory_space<hbm>> -> memref<64x128xf32, #tpu.memory_space<hbm>>
    %dma_start3A_259 = arith.constant 0 : i32
    %dma_start3A_260 = tpu.memref_slice %arg6[%add3A_253, %dma_start3A_259] : memref<16384x128xf32, #tpu.memory_space<hbm>> -> memref<64x128xf32, #tpu.memory_space<hbm>>
    %dma_start3A_261 = arith.constant 128 : i32
    %dma_start3A_262 = arith.constant 0 : i32
    %dma_start3A_263 = tpu.memref_slice %arg9[%dma_start3A_261, %dma_start3A_262] : memref<512x128xf32, #tpu.memory_space<vmem>> -> memref<64x128xf32, #tpu.memory_space<vmem>>
    tpu.enqueue_dma source(%dma_start3A_263 : memref<64x128xf32, #tpu.memory_space<vmem>>) target(%dma_start3A_260 : memref<64x128xf32, #tpu.memory_space<hbm>>) target_semaphore(%arg13 : memref<!tpu.dma_semaphore, #tpu.memory_space<semaphore_mem>>)
    %dma_wait3A_264 = arith.constant 192 : i32
    %dma_wait3A_265 = arith.constant 0 : i32
    %dma_wait3A_266 = tpu.memref_slice %arg9[%dma_wait3A_264, %dma_wait3A_265] : memref<512x128xf32, #tpu.memory_space<vmem>> -> memref<64x128xf32, #tpu.memory_space<vmem>>
    %dma_wait3A_267 = arith.constant 192 : i32
    %dma_wait3A_268 = tpu.memref_slice %arg8[%dma_wait3A_267] : memref<512xi32, #tpu.memory_space<vmem>> -> memref<64xi32, #tpu.memory_space<vmem>>
    %dma_wait3A_269 = arith.constant 0 : i32
    %dma_wait3A_270 = arith.constant 0 : i32
    %dma_wait3A_271 = tpu.memref_slice %arg7[%dma_wait3A_269, %dma_wait3A_270] : memref<3x128xf32, #tpu.memory_space<vmem_shared>> -> memref<3x128xf32, #tpu.memory_space<vmem_shared>>
    tpu.wait_indirect_dma semaphore(%arg12 : memref<!tpu.dma_semaphore, #tpu.memory_space<semaphore_mem>>) src(%dma_wait3A_271 : memref<3x128xf32, #tpu.memory_space<vmem_shared>>) dst(%dma_wait3A_266 : memref<64x128xf32, #tpu.memory_space<vmem>>)
    %add3A_272 = arith.constant 192 : i32
    %add3A_273 = arith.addi %mul3A_2, %add3A_272 : i32
    %dma_start3A_274 = arith.constant 192 : i32
    %dma_start3A_275 = arith.constant 0 : i32
    %dma_start3A_276 = tpu.memref_slice %arg9[%dma_start3A_274, %dma_start3A_275] : memref<512x128xf32, #tpu.memory_space<vmem>> -> memref<64x128xf32, #tpu.memory_space<vmem>>
    %dma_start3A_277 = arith.constant 0 : i32
    %dma_start3A_278 = tpu.memref_slice %arg6[%add3A_273, %dma_start3A_277] : memref<16384x128xf32, #tpu.memory_space<hbm>> -> memref<64x128xf32, #tpu.memory_space<hbm>>
    %dma_start3A_279 = arith.constant 0 : i32
    %dma_start3A_280 = tpu.memref_slice %arg6[%add3A_273, %dma_start3A_279] : memref<16384x128xf32, #tpu.memory_space<hbm>> -> memref<64x128xf32, #tpu.memory_space<hbm>>
    %dma_start3A_281 = arith.constant 192 : i32
    %dma_start3A_282 = arith.constant 0 : i32
    %dma_start3A_283 = tpu.memref_slice %arg9[%dma_start3A_281, %dma_start3A_282] : memref<512x128xf32, #tpu.memory_space<vmem>> -> memref<64x128xf32, #tpu.memory_space<vmem>>
    tpu.enqueue_dma source(%dma_start3A_283 : memref<64x128xf32, #tpu.memory_space<vmem>>) target(%dma_start3A_280 : memref<64x128xf32, #tpu.memory_space<hbm>>) target_semaphore(%arg13 : memref<!tpu.dma_semaphore, #tpu.memory_space<semaphore_mem>>)
    %dma_wait3A_284 = arith.constant 256 : i32
    %dma_wait3A_285 = arith.constant 0 : i32
    %dma_wait3A_286 = tpu.memref_slice %arg9[%dma_wait3A_284, %dma_wait3A_285] : memref<512x128xf32, #tpu.memory_space<vmem>> -> memref<64x128xf32, #tpu.memory_space<vmem>>
    %dma_wait3A_287 = arith.constant 256 : i32
    %dma_wait3A_288 = tpu.memref_slice %arg8[%dma_wait3A_287] : memref<512xi32, #tpu.memory_space<vmem>> -> memref<64xi32, #tpu.memory_space<vmem>>
    %dma_wait3A_289 = arith.constant 0 : i32
    %dma_wait3A_290 = arith.constant 0 : i32
    %dma_wait3A_291 = tpu.memref_slice %arg7[%dma_wait3A_289, %dma_wait3A_290] : memref<3x128xf32, #tpu.memory_space<vmem_shared>> -> memref<3x128xf32, #tpu.memory_space<vmem_shared>>
    tpu.wait_indirect_dma semaphore(%arg12 : memref<!tpu.dma_semaphore, #tpu.memory_space<semaphore_mem>>) src(%dma_wait3A_291 : memref<3x128xf32, #tpu.memory_space<vmem_shared>>) dst(%dma_wait3A_286 : memref<64x128xf32, #tpu.memory_space<vmem>>)
    %add3A_292 = arith.constant 256 : i32
    %add3A_293 = arith.addi %mul3A_2, %add3A_292 : i32
    %dma_start3A_294 = arith.constant 256 : i32
    %dma_start3A_295 = arith.constant 0 : i32
    %dma_start3A_296 = tpu.memref_slice %arg9[%dma_start3A_294, %dma_start3A_295] : memref<512x128xf32, #tpu.memory_space<vmem>> -> memref<64x128xf32, #tpu.memory_space<vmem>>
    %dma_start3A_297 = arith.constant 0 : i32
    %dma_start3A_298 = tpu.memref_slice %arg6[%add3A_293, %dma_start3A_297] : memref<16384x128xf32, #tpu.memory_space<hbm>> -> memref<64x128xf32, #tpu.memory_space<hbm>>
    %dma_start3A_299 = arith.constant 0 : i32
    %dma_start3A_300 = tpu.memref_slice %arg6[%add3A_293, %dma_start3A_299] : memref<16384x128xf32, #tpu.memory_space<hbm>> -> memref<64x128xf32, #tpu.memory_space<hbm>>
    %dma_start3A_301 = arith.constant 256 : i32
    %dma_start3A_302 = arith.constant 0 : i32
    %dma_start3A_303 = tpu.memref_slice %arg9[%dma_start3A_301, %dma_start3A_302] : memref<512x128xf32, #tpu.memory_space<vmem>> -> memref<64x128xf32, #tpu.memory_space<vmem>>
    tpu.enqueue_dma source(%dma_start3A_303 : memref<64x128xf32, #tpu.memory_space<vmem>>) target(%dma_start3A_300 : memref<64x128xf32, #tpu.memory_space<hbm>>) target_semaphore(%arg13 : memref<!tpu.dma_semaphore, #tpu.memory_space<semaphore_mem>>)
    %dma_wait3A_304 = arith.constant 320 : i32
    %dma_wait3A_305 = arith.constant 0 : i32
    %dma_wait3A_306 = tpu.memref_slice %arg9[%dma_wait3A_304, %dma_wait3A_305] : memref<512x128xf32, #tpu.memory_space<vmem>> -> memref<64x128xf32, #tpu.memory_space<vmem>>
    %dma_wait3A_307 = arith.constant 320 : i32
    %dma_wait3A_308 = tpu.memref_slice %arg8[%dma_wait3A_307] : memref<512xi32, #tpu.memory_space<vmem>> -> memref<64xi32, #tpu.memory_space<vmem>>
    %dma_wait3A_309 = arith.constant 0 : i32
    %dma_wait3A_310 = arith.constant 0 : i32
    %dma_wait3A_311 = tpu.memref_slice %arg7[%dma_wait3A_309, %dma_wait3A_310] : memref<3x128xf32, #tpu.memory_space<vmem_shared>> -> memref<3x128xf32, #tpu.memory_space<vmem_shared>>
    tpu.wait_indirect_dma semaphore(%arg12 : memref<!tpu.dma_semaphore, #tpu.memory_space<semaphore_mem>>) src(%dma_wait3A_311 : memref<3x128xf32, #tpu.memory_space<vmem_shared>>) dst(%dma_wait3A_306 : memref<64x128xf32, #tpu.memory_space<vmem>>)
    %add3A_312 = arith.constant 320 : i32
    %add3A_313 = arith.addi %mul3A_2, %add3A_312 : i32
    %dma_start3A_314 = arith.constant 320 : i32
    %dma_start3A_315 = arith.constant 0 : i32
    %dma_start3A_316 = tpu.memref_slice %arg9[%dma_start3A_314, %dma_start3A_315] : memref<512x128xf32, #tpu.memory_space<vmem>> -> memref<64x128xf32, #tpu.memory_space<vmem>>
    %dma_start3A_317 = arith.constant 0 : i32
    %dma_start3A_318 = tpu.memref_slice %arg6[%add3A_313, %dma_start3A_317] : memref<16384x128xf32, #tpu.memory_space<hbm>> -> memref<64x128xf32, #tpu.memory_space<hbm>>
    %dma_start3A_319 = arith.constant 0 : i32
    %dma_start3A_320 = tpu.memref_slice %arg6[%add3A_313, %dma_start3A_319] : memref<16384x128xf32, #tpu.memory_space<hbm>> -> memref<64x128xf32, #tpu.memory_space<hbm>>
    %dma_start3A_321 = arith.constant 320 : i32
    %dma_start3A_322 = arith.constant 0 : i32
    %dma_start3A_323 = tpu.memref_slice %arg9[%dma_start3A_321, %dma_start3A_322] : memref<512x128xf32, #tpu.memory_space<vmem>> -> memref<64x128xf32, #tpu.memory_space<vmem>>
    tpu.enqueue_dma source(%dma_start3A_323 : memref<64x128xf32, #tpu.memory_space<vmem>>) target(%dma_start3A_320 : memref<64x128xf32, #tpu.memory_space<hbm>>) target_semaphore(%arg13 : memref<!tpu.dma_semaphore, #tpu.memory_space<semaphore_mem>>)
    %dma_wait3A_324 = arith.constant 384 : i32
    %dma_wait3A_325 = arith.constant 0 : i32
    %dma_wait3A_326 = tpu.memref_slice %arg9[%dma_wait3A_324, %dma_wait3A_325] : memref<512x128xf32, #tpu.memory_space<vmem>> -> memref<64x128xf32, #tpu.memory_space<vmem>>
    %dma_wait3A_327 = arith.constant 384 : i32
    %dma_wait3A_328 = tpu.memref_slice %arg8[%dma_wait3A_327] : memref<512xi32, #tpu.memory_space<vmem>> -> memref<64xi32, #tpu.memory_space<vmem>>
    %dma_wait3A_329 = arith.constant 0 : i32
    %dma_wait3A_330 = arith.constant 0 : i32
    %dma_wait3A_331 = tpu.memref_slice %arg7[%dma_wait3A_329, %dma_wait3A_330] : memref<3x128xf32, #tpu.memory_space<vmem_shared>> -> memref<3x128xf32, #tpu.memory_space<vmem_shared>>
    tpu.wait_indirect_dma semaphore(%arg12 : memref<!tpu.dma_semaphore, #tpu.memory_space<semaphore_mem>>) src(%dma_wait3A_331 : memref<3x128xf32, #tpu.memory_space<vmem_shared>>) dst(%dma_wait3A_326 : memref<64x128xf32, #tpu.memory_space<vmem>>)
    %add3A_332 = arith.constant 384 : i32
    %add3A_333 = arith.addi %mul3A_2, %add3A_332 : i32
    %dma_start3A_334 = arith.constant 384 : i32
    %dma_start3A_335 = arith.constant 0 : i32
    %dma_start3A_336 = tpu.memref_slice %arg9[%dma_start3A_334, %dma_start3A_335] : memref<512x128xf32, #tpu.memory_space<vmem>> -> memref<64x128xf32, #tpu.memory_space<vmem>>
    %dma_start3A_337 = arith.constant 0 : i32
    %dma_start3A_338 = tpu.memref_slice %arg6[%add3A_333, %dma_start3A_337] : memref<16384x128xf32, #tpu.memory_space<hbm>> -> memref<64x128xf32, #tpu.memory_space<hbm>>
    %dma_start3A_339 = arith.constant 0 : i32
    %dma_start3A_340 = tpu.memref_slice %arg6[%add3A_333, %dma_start3A_339] : memref<16384x128xf32, #tpu.memory_space<hbm>> -> memref<64x128xf32, #tpu.memory_space<hbm>>
    %dma_start3A_341 = arith.constant 384 : i32
    %dma_start3A_342 = arith.constant 0 : i32
    %dma_start3A_343 = tpu.memref_slice %arg9[%dma_start3A_341, %dma_start3A_342] : memref<512x128xf32, #tpu.memory_space<vmem>> -> memref<64x128xf32, #tpu.memory_space<vmem>>
    tpu.enqueue_dma source(%dma_start3A_343 : memref<64x128xf32, #tpu.memory_space<vmem>>) target(%dma_start3A_340 : memref<64x128xf32, #tpu.memory_space<hbm>>) target_semaphore(%arg13 : memref<!tpu.dma_semaphore, #tpu.memory_space<semaphore_mem>>)
    %dma_wait3A_344 = arith.constant 448 : i32
    %dma_wait3A_345 = arith.constant 0 : i32
    %dma_wait3A_346 = tpu.memref_slice %arg9[%dma_wait3A_344, %dma_wait3A_345] : memref<512x128xf32, #tpu.memory_space<vmem>> -> memref<64x128xf32, #tpu.memory_space<vmem>>
    %dma_wait3A_347 = arith.constant 448 : i32
    %dma_wait3A_348 = tpu.memref_slice %arg8[%dma_wait3A_347] : memref<512xi32, #tpu.memory_space<vmem>> -> memref<64xi32, #tpu.memory_space<vmem>>
    %dma_wait3A_349 = arith.constant 0 : i32
    %dma_wait3A_350 = arith.constant 0 : i32
    %dma_wait3A_351 = tpu.memref_slice %arg7[%dma_wait3A_349, %dma_wait3A_350] : memref<3x128xf32, #tpu.memory_space<vmem_shared>> -> memref<3x128xf32, #tpu.memory_space<vmem_shared>>
    tpu.wait_indirect_dma semaphore(%arg12 : memref<!tpu.dma_semaphore, #tpu.memory_space<semaphore_mem>>) src(%dma_wait3A_351 : memref<3x128xf32, #tpu.memory_space<vmem_shared>>) dst(%dma_wait3A_346 : memref<64x128xf32, #tpu.memory_space<vmem>>)
    %add3A_352 = arith.constant 448 : i32
    %add3A_353 = arith.addi %mul3A_2, %add3A_352 : i32
    %dma_start3A_354 = arith.constant 448 : i32
    %dma_start3A_355 = arith.constant 0 : i32
    %dma_start3A_356 = tpu.memref_slice %arg9[%dma_start3A_354, %dma_start3A_355] : memref<512x128xf32, #tpu.memory_space<vmem>> -> memref<64x128xf32, #tpu.memory_space<vmem>>
    %dma_start3A_357 = arith.constant 0 : i32
    %dma_start3A_358 = tpu.memref_slice %arg6[%add3A_353, %dma_start3A_357] : memref<16384x128xf32, #tpu.memory_space<hbm>> -> memref<64x128xf32, #tpu.memory_space<hbm>>
    %dma_start3A_359 = arith.constant 0 : i32
    %dma_start3A_360 = tpu.memref_slice %arg6[%add3A_353, %dma_start3A_359] : memref<16384x128xf32, #tpu.memory_space<hbm>> -> memref<64x128xf32, #tpu.memory_space<hbm>>
    %dma_start3A_361 = arith.constant 448 : i32
    %dma_start3A_362 = arith.constant 0 : i32
    %dma_start3A_363 = tpu.memref_slice %arg9[%dma_start3A_361, %dma_start3A_362] : memref<512x128xf32, #tpu.memory_space<vmem>> -> memref<64x128xf32, #tpu.memory_space<vmem>>
    tpu.enqueue_dma source(%dma_start3A_363 : memref<64x128xf32, #tpu.memory_space<vmem>>) target(%dma_start3A_360 : memref<64x128xf32, #tpu.memory_space<hbm>>) target_semaphore(%arg13 : memref<!tpu.dma_semaphore, #tpu.memory_space<semaphore_mem>>)
    %dma_wait3A_364 = arith.constant 0 : i32
    %dma_wait3A_365 = arith.constant 0 : i32
    %dma_wait3A_366 = tpu.memref_slice %arg9[%dma_wait3A_364, %dma_wait3A_365] : memref<512x128xf32, #tpu.memory_space<vmem>> -> memref<64x128xf32, #tpu.memory_space<vmem>>
    %dma_wait3A_367 = arith.constant 0 : i32
    %dma_wait3A_368 = tpu.memref_slice %arg6[%add3A_213, %dma_wait3A_367] : memref<16384x128xf32, #tpu.memory_space<hbm>> -> memref<64x128xf32, #tpu.memory_space<hbm>>
    %dma_wait3A_369 = arith.constant 0 : i32
    %dma_wait3A_370 = tpu.memref_slice %arg6[%add3A_213, %dma_wait3A_369] : memref<16384x128xf32, #tpu.memory_space<hbm>> -> memref<64x128xf32, #tpu.memory_space<hbm>>
    %dma_wait3A_371 = arith.constant 0 : i32
    %dma_wait3A_372 = arith.constant 0 : i32
    %dma_wait3A_373 = tpu.memref_slice %arg9[%dma_wait3A_371, %dma_wait3A_372] : memref<512x128xf32, #tpu.memory_space<vmem>> -> memref<64x128xf32, #tpu.memory_space<vmem>>
    tpu.wait_dma2 semaphore(%arg13 : memref<!tpu.dma_semaphore, #tpu.memory_space<semaphore_mem>>) src(%dma_wait3A_373 : memref<64x128xf32, #tpu.memory_space<vmem>>) dst(%dma_wait3A_370 : memref<64x128xf32, #tpu.memory_space<hbm>>)
    %dma_wait3A_374 = arith.constant 64 : i32
    %dma_wait3A_375 = arith.constant 0 : i32
    %dma_wait3A_376 = tpu.memref_slice %arg9[%dma_wait3A_374, %dma_wait3A_375] : memref<512x128xf32, #tpu.memory_space<vmem>> -> memref<64x128xf32, #tpu.memory_space<vmem>>
    %dma_wait3A_377 = arith.constant 0 : i32
    %dma_wait3A_378 = tpu.memref_slice %arg6[%add3A_233, %dma_wait3A_377] : memref<16384x128xf32, #tpu.memory_space<hbm>> -> memref<64x128xf32, #tpu.memory_space<hbm>>
    %dma_wait3A_379 = arith.constant 0 : i32
    %dma_wait3A_380 = tpu.memref_slice %arg6[%add3A_233, %dma_wait3A_379] : memref<16384x128xf32, #tpu.memory_space<hbm>> -> memref<64x128xf32, #tpu.memory_space<hbm>>
    %dma_wait3A_381 = arith.constant 64 : i32
    %dma_wait3A_382 = arith.constant 0 : i32
    %dma_wait3A_383 = tpu.memref_slice %arg9[%dma_wait3A_381, %dma_wait3A_382] : memref<512x128xf32, #tpu.memory_space<vmem>> -> memref<64x128xf32, #tpu.memory_space<vmem>>
    tpu.wait_dma2 semaphore(%arg13 : memref<!tpu.dma_semaphore, #tpu.memory_space<semaphore_mem>>) src(%dma_wait3A_383 : memref<64x128xf32, #tpu.memory_space<vmem>>) dst(%dma_wait3A_380 : memref<64x128xf32, #tpu.memory_space<hbm>>)
    %dma_wait3A_384 = arith.constant 128 : i32
    %dma_wait3A_385 = arith.constant 0 : i32
    %dma_wait3A_386 = tpu.memref_slice %arg9[%dma_wait3A_384, %dma_wait3A_385] : memref<512x128xf32, #tpu.memory_space<vmem>> -> memref<64x128xf32, #tpu.memory_space<vmem>>
    %dma_wait3A_387 = arith.constant 0 : i32
    %dma_wait3A_388 = tpu.memref_slice %arg6[%add3A_253, %dma_wait3A_387] : memref<16384x128xf32, #tpu.memory_space<hbm>> -> memref<64x128xf32, #tpu.memory_space<hbm>>
    %dma_wait3A_389 = arith.constant 0 : i32
    %dma_wait3A_390 = tpu.memref_slice %arg6[%add3A_253, %dma_wait3A_389] : memref<16384x128xf32, #tpu.memory_space<hbm>> -> memref<64x128xf32, #tpu.memory_space<hbm>>
    %dma_wait3A_391 = arith.constant 128 : i32
    %dma_wait3A_392 = arith.constant 0 : i32
    %dma_wait3A_393 = tpu.memref_slice %arg9[%dma_wait3A_391, %dma_wait3A_392] : memref<512x128xf32, #tpu.memory_space<vmem>> -> memref<64x128xf32, #tpu.memory_space<vmem>>
    tpu.wait_dma2 semaphore(%arg13 : memref<!tpu.dma_semaphore, #tpu.memory_space<semaphore_mem>>) src(%dma_wait3A_393 : memref<64x128xf32, #tpu.memory_space<vmem>>) dst(%dma_wait3A_390 : memref<64x128xf32, #tpu.memory_space<hbm>>)
    %dma_wait3A_394 = arith.constant 192 : i32
    %dma_wait3A_395 = arith.constant 0 : i32
    %dma_wait3A_396 = tpu.memref_slice %arg9[%dma_wait3A_394, %dma_wait3A_395] : memref<512x128xf32, #tpu.memory_space<vmem>> -> memref<64x128xf32, #tpu.memory_space<vmem>>
    %dma_wait3A_397 = arith.constant 0 : i32
    %dma_wait3A_398 = tpu.memref_slice %arg6[%add3A_273, %dma_wait3A_397] : memref<16384x128xf32, #tpu.memory_space<hbm>> -> memref<64x128xf32, #tpu.memory_space<hbm>>
    %dma_wait3A_399 = arith.constant 0 : i32
    %dma_wait3A_400 = tpu.memref_slice %arg6[%add3A_273, %dma_wait3A_399] : memref<16384x128xf32, #tpu.memory_space<hbm>> -> memref<64x128xf32, #tpu.memory_space<hbm>>
    %dma_wait3A_401 = arith.constant 192 : i32
    %dma_wait3A_402 = arith.constant 0 : i32
    %dma_wait3A_403 = tpu.memref_slice %arg9[%dma_wait3A_401, %dma_wait3A_402] : memref<512x128xf32, #tpu.memory_space<vmem>> -> memref<64x128xf32, #tpu.memory_space<vmem>>
    tpu.wait_dma2 semaphore(%arg13 : memref<!tpu.dma_semaphore, #tpu.memory_space<semaphore_mem>>) src(%dma_wait3A_403 : memref<64x128xf32, #tpu.memory_space<vmem>>) dst(%dma_wait3A_400 : memref<64x128xf32, #tpu.memory_space<hbm>>)
    %dma_wait3A_404 = arith.constant 256 : i32
    %dma_wait3A_405 = arith.constant 0 : i32
    %dma_wait3A_406 = tpu.memref_slice %arg9[%dma_wait3A_404, %dma_wait3A_405] : memref<512x128xf32, #tpu.memory_space<vmem>> -> memref<64x128xf32, #tpu.memory_space<vmem>>
    %dma_wait3A_407 = arith.constant 0 : i32
    %dma_wait3A_408 = tpu.memref_slice %arg6[%add3A_293, %dma_wait3A_407] : memref<16384x128xf32, #tpu.memory_space<hbm>> -> memref<64x128xf32, #tpu.memory_space<hbm>>
    %dma_wait3A_409 = arith.constant 0 : i32
    %dma_wait3A_410 = tpu.memref_slice %arg6[%add3A_293, %dma_wait3A_409] : memref<16384x128xf32, #tpu.memory_space<hbm>> -> memref<64x128xf32, #tpu.memory_space<hbm>>
    %dma_wait3A_411 = arith.constant 256 : i32
    %dma_wait3A_412 = arith.constant 0 : i32
    %dma_wait3A_413 = tpu.memref_slice %arg9[%dma_wait3A_411, %dma_wait3A_412] : memref<512x128xf32, #tpu.memory_space<vmem>> -> memref<64x128xf32, #tpu.memory_space<vmem>>
    tpu.wait_dma2 semaphore(%arg13 : memref<!tpu.dma_semaphore, #tpu.memory_space<semaphore_mem>>) src(%dma_wait3A_413 : memref<64x128xf32, #tpu.memory_space<vmem>>) dst(%dma_wait3A_410 : memref<64x128xf32, #tpu.memory_space<hbm>>)
    %dma_wait3A_414 = arith.constant 320 : i32
    %dma_wait3A_415 = arith.constant 0 : i32
    %dma_wait3A_416 = tpu.memref_slice %arg9[%dma_wait3A_414, %dma_wait3A_415] : memref<512x128xf32, #tpu.memory_space<vmem>> -> memref<64x128xf32, #tpu.memory_space<vmem>>
    %dma_wait3A_417 = arith.constant 0 : i32
    %dma_wait3A_418 = tpu.memref_slice %arg6[%add3A_313, %dma_wait3A_417] : memref<16384x128xf32, #tpu.memory_space<hbm>> -> memref<64x128xf32, #tpu.memory_space<hbm>>
    %dma_wait3A_419 = arith.constant 0 : i32
    %dma_wait3A_420 = tpu.memref_slice %arg6[%add3A_313, %dma_wait3A_419] : memref<16384x128xf32, #tpu.memory_space<hbm>> -> memref<64x128xf32, #tpu.memory_space<hbm>>
    %dma_wait3A_421 = arith.constant 320 : i32
    %dma_wait3A_422 = arith.constant 0 : i32
    %dma_wait3A_423 = tpu.memref_slice %arg9[%dma_wait3A_421, %dma_wait3A_422] : memref<512x128xf32, #tpu.memory_space<vmem>> -> memref<64x128xf32, #tpu.memory_space<vmem>>
    tpu.wait_dma2 semaphore(%arg13 : memref<!tpu.dma_semaphore, #tpu.memory_space<semaphore_mem>>) src(%dma_wait3A_423 : memref<64x128xf32, #tpu.memory_space<vmem>>) dst(%dma_wait3A_420 : memref<64x128xf32, #tpu.memory_space<hbm>>)
    %dma_wait3A_424 = arith.constant 384 : i32
    %dma_wait3A_425 = arith.constant 0 : i32
    %dma_wait3A_426 = tpu.memref_slice %arg9[%dma_wait3A_424, %dma_wait3A_425] : memref<512x128xf32, #tpu.memory_space<vmem>> -> memref<64x128xf32, #tpu.memory_space<vmem>>
    %dma_wait3A_427 = arith.constant 0 : i32
    %dma_wait3A_428 = tpu.memref_slice %arg6[%add3A_333, %dma_wait3A_427] : memref<16384x128xf32, #tpu.memory_space<hbm>> -> memref<64x128xf32, #tpu.memory_space<hbm>>
    %dma_wait3A_429 = arith.constant 0 : i32
    %dma_wait3A_430 = tpu.memref_slice %arg6[%add3A_333, %dma_wait3A_429] : memref<16384x128xf32, #tpu.memory_space<hbm>> -> memref<64x128xf32, #tpu.memory_space<hbm>>
    %dma_wait3A_431 = arith.constant 384 : i32
    %dma_wait3A_432 = arith.constant 0 : i32
    %dma_wait3A_433 = tpu.memref_slice %arg9[%dma_wait3A_431, %dma_wait3A_432] : memref<512x128xf32, #tpu.memory_space<vmem>> -> memref<64x128xf32, #tpu.memory_space<vmem>>
    tpu.wait_dma2 semaphore(%arg13 : memref<!tpu.dma_semaphore, #tpu.memory_space<semaphore_mem>>) src(%dma_wait3A_433 : memref<64x128xf32, #tpu.memory_space<vmem>>) dst(%dma_wait3A_430 : memref<64x128xf32, #tpu.memory_space<hbm>>)
    %dma_wait3A_434 = arith.constant 448 : i32
    %dma_wait3A_435 = arith.constant 0 : i32
    %dma_wait3A_436 = tpu.memref_slice %arg9[%dma_wait3A_434, %dma_wait3A_435] : memref<512x128xf32, #tpu.memory_space<vmem>> -> memref<64x128xf32, #tpu.memory_space<vmem>>
    %dma_wait3A_437 = arith.constant 0 : i32
    %dma_wait3A_438 = tpu.memref_slice %arg6[%add3A_353, %dma_wait3A_437] : memref<16384x128xf32, #tpu.memory_space<hbm>> -> memref<64x128xf32, #tpu.memory_space<hbm>>
    %dma_wait3A_439 = arith.constant 0 : i32
    %dma_wait3A_440 = tpu.memref_slice %arg6[%add3A_353, %dma_wait3A_439] : memref<16384x128xf32, #tpu.memory_space<hbm>> -> memref<64x128xf32, #tpu.memory_space<hbm>>
    %dma_wait3A_441 = arith.constant 448 : i32
    %dma_wait3A_442 = arith.constant 0 : i32
    %dma_wait3A_443 = tpu.memref_slice %arg9[%dma_wait3A_441, %dma_wait3A_442] : memref<512x128xf32, #tpu.memory_space<vmem>> -> memref<64x128xf32, #tpu.memory_space<vmem>>
    tpu.wait_dma2 semaphore(%arg13 : memref<!tpu.dma_semaphore, #tpu.memory_space<semaphore_mem>>) src(%dma_wait3A_443 : memref<64x128xf32, #tpu.memory_space<vmem>>) dst(%dma_wait3A_440 : memref<64x128xf32, #tpu.memory_space<hbm>>)
    return
  }
}

</mosaic_0001>

<sc_bundles>
// kernel: _gather.3.cloned.1.call-start
scs
__scs_entry_jumppad:
0x0: {  	(pc) =	sbr.rel $0x88, $3  }
0x1: {  	(tag) =	ssettag $0x0;
	lr =	simm.s32 $0x1  }
0x2: {  	[smem:$0x3F9D] =	sst lr;
	_ =	strace $0xD0000000  }
0x3: {  	_ = 	snop  }
0x4: {  	_ = 	snop  }
0x5: {  	_ = 	snop  }
0x6: {  	_ = 	snop  }
0x7: {  	_ = 	snop  }
__scs_overlays_trampoline_lowered:
0x8: {  	[smem:$0x3FAC] =	sst s0  }
0x9: {  	[smem:$0x3FAD] =	sst s1  }
0xa: {  	[smem:$0x3FAE] =	sst s2  }
0xb: {  	[smem:$0x3FAF] =	sst s3  }
0xc: {  	[smem:$0x3FB0] =	sst s4  }
0xd: {  	[smem:$0x3FB1] =	sst s5  }
0xe: {  	[smem:$0x3FB2] =	sst s6  }
0xf: {  	[smem:$0x3FB3] =	sst s7  }
0x10: {  	[smem:$0x3FB4] =	sst s8  }
0x11: {  	[smem:$0x3FB5] =	sst s9;
	s0 =	simm.s32 @!p0 $0x0  }
0x12: {  	s1 =	sld [smem:$0x3F9B];
	s0 =	simm.s32 @p0 $0x1  }
0x13: {  	[smem:$0x3FB6] =	sst s0;
	s0 =	simm.s32 @!p1 $0x0  }
0x14: {  	s2 =	sld [smem:$0x3F9A];
	s0 =	simm.s32 @p1 $0x1  }
0x15: {  	[smem:$0x3FB7] =	sst s0;
	s0 =	simm.s32 @!p2 $0x0  }
0x16: {  	s3 =	sld [smem:$0x3FDB];
	s0 =	simm.s32 @p2 $0x1  }
0x17: {  	s4 =	simm.s32 $0x1BF5;
	[smem:$0x3FB9] =	sst s0  }
0x18: {  	s0 =	sld [smem:$0x3F9C];
	_ =	swait.ge [sflag:s4], $0x0  }
0x19: {  	s7 =	sld [smem:$0x3F9D]  }
0x1a: {  	s8 =	sadd.s32 $0xFFFFE003, lr  }
0x1b: {  	s9 =	sadd.s32 $0xFFFFFEF7, lr;
	s5 =	simm.s32 $0xFFFFFFFF;
	p2 =	slt.u32 s8, $0xFFFFF086  }
0x1c: {  	p1 =	slt.u32 s9, $0xF7A;
	s5 =	simm.s32 @!p2 $0x0  }
0x1d: {  	s5 =	simm.s32 @p1 $0x1;
	p0 =	seq.s32 s7, s2  }
0x1e: {  	s7 =	smul.u32 @!p0 $0xF7A, s2;
	p2 =	seq.s32 @!p0 s5, $0x0  }
0x1f: {  	s9 =	smul.u32 $0xF7A, s1;
	s8 =	simm.s32 @!p0 $0x1BF5;
	p2 =	por !p2, p0  }
0x20: {  	[sflag:s8] =	ssyncset.s32 @!p0 $0xFFFFF086;
	s6 =	sadd.s32 @!p0 s3, s7;
	s7 =	simm.s32 @!p0 $0x108  }
0x21: {  	s3 =	sadd.s32 s3, s9;
	s6 =	sadd.s32 @!p0 $0x88, s6;
	s7 =	simm.s32 @p2 $0x1082  }
0x22: {  	[simem:s7], [sflag:s8] =	dma.local @!p0 [hbm:s6], $0xF7A  }
0x23: {  	s9 =	sor.u32 $0xD0000000, s2;
	s6 =	simm.s32 $0x108;
	_ =	swait.ge @!p0 [sflag:s8], $0x0  }
0x24: {  	s3 =	sadd.s32 $0x88, s3;
	s6 =	simm.s32 @!p1 $0x1082;
	[sflag:s4] =	ssyncset.s32 $0xFFFFF086  }
0x25: {  	[simem:s6], [sflag:s4] =	dma.local [hbm:s3], $0xF7A  }
0x26: {  	[smem:$0x3F9D] =	sst s1;
	(tag) =	ssettag s2;
	_ =	strace s9  }
0x27: {  	s1 =	sld [smem:$0x3FAD]  }
0x28: {  	s2 =	sld [smem:$0x3FAE]  }
0x29: {  	s4 =	sld [smem:$0x3FB0]  }
0x2a: {  	p0 =	seq.s32 s5, $0x0;
	s5 =	sld [smem:$0x3FB1]  }
0x2b: {  	s6 =	sld [smem:$0x3FB2]  }
0x2c: {  	s7 =	sld [smem:$0x3FB3]  }
0x2d: {  	s3 =	simm.s32 $0x108;
	s8 =	sld [smem:$0x3FB4]  }
0x2e: {  	s3 =	simm.s32 @!p0 $0x1082;
	s9 =	sld [smem:$0x3FB5]  }
0x2f: {  	lr =	sadd.s32 s0, s3;
	s0 =	sld [smem:$0x3FAC]  }
0x30: {  	s3 =	sld [smem:$0x3FAF]  }
0x31: {  	[smem:$0x3FB8] =	sst s10  }
0x32: {  	s10 =	sld [smem:$0x3FB6];
	_ =	sdelay $0x3  }
0x33: {  	p0 =	seq.s32 s10, $0x1;
	s10 =	sld [smem:$0x3FB8];
	_ =	sdelay $0x3  }
0x34: {  	[smem:$0x3FB8] =	sst s10  }
0x35: {  	s10 =	sld [smem:$0x3FB7];
	_ =	sdelay $0x3  }
0x36: {  	p1 =	seq.s32 s10, $0x1;
	s10 =	sld [smem:$0x3FB8];
	_ =	sdelay $0x3  }
0x37: {  	[smem:$0x3FB8] =	sst s10  }
0x38: {  	s10 =	sld [smem:$0x3FB9]  }
0x39: {  	_ = 	snop;
	(pc) =	sbr.ind lr, $3  }
0x3a: {  	_ = 	snop  }
0x3b: {  	_ = 	snop  }
0x3c: {  	p2 =	seq.s32 s10, $0x1;
	s10 =	sld [smem:$0x3FB8]  }
0x3d: {  	_ =	shalt  }
0x3e: {  	_ =	shalt  }
0x3f: {  	_ =	shalt  }
0x40: {  	_ =	shalt  }
0x41: {  	_ =	shalt  }
0x42: {  	_ =	shalt  }
0x43: {  	_ =	shalt  }
0x44: {  	_ =	shalt  }
0x45: {  	_ =	shalt  }
0x46: {  	_ =	shalt  }
0x47: {  	_ =	shalt  }
0x48: {  	_ =	shalt  }
0x49: {  	_ =	shalt  }
0x4a: {  	_ =	shalt  }
0x4b: {  	_ =	shalt  }
0x4c: {  	_ =	shalt  }
0x4d: {  	_ =	shalt  }
0x4e: {  	_ =	shalt  }
0x4f: {  	_ =	shalt  }
0x50: {  	_ =	shalt  }
0x51: {  	_ =	shalt  }
0x52: {  	_ =	shalt  }
0x53: {  	_ =	shalt  }
0x54: {  	_ =	shalt  }
0x55: {  	_ =	shalt  }
0x56: {  	_ =	shalt  }
0x57: {  	_ =	shalt  }
0x58: {  	_ =	shalt  }
0x59: {  	_ =	shalt  }
0x5a: {  	_ =	shalt  }
0x5b: {  	_ =	shalt  }
0x5c: {  	_ =	shalt  }
0x5d: {  	_ =	shalt  }
0x5e: {  	_ =	shalt  }
0x5f: {  	_ =	shalt  }
0x60: {  	_ =	shalt  }
0x61: {  	_ =	shalt  }
0x62: {  	_ =	shalt  }
0x63: {  	_ =	shalt  }
0x64: {  	_ =	shalt  }
0x65: {  	_ =	shalt  }
0x66: {  	_ =	shalt  }
0x67: {  	_ =	shalt  }
0x68: {  	_ =	shalt  }
0x69: {  	_ =	shalt  }
0x6a: {  	_ =	shalt  }
0x6b: {  	_ =	shalt  }
0x6c: {  	_ =	shalt  }
0x6d: {  	_ =	shalt  }
0x6e: {  	_ =	shalt  }
0x6f: {  	_ =	shalt  }
0x70: {  	_ =	shalt  }
0x71: {  	_ =	shalt  }
0x72: {  	_ =	shalt  }
0x73: {  	_ =	shalt  }
0x74: {  	_ =	shalt  }
0x75: {  	_ =	shalt  }
0x76: {  	_ =	shalt  }
0x77: {  	_ =	shalt  }
0x78: {  	_ =	shalt  }
0x79: {  	_ =	shalt  }
0x7a: {  	_ =	shalt  }
0x7b: {  	_ =	shalt  }
0x7c: {  	_ =	shalt  }
0x7d: {  	_ =	shalt  }
0x7e: {  	_ =	shalt  }
0x7f: {  	_ =	shalt  }
0x80: {  	_ =	shalt  }
0x81: {  	_ =	shalt  }
0x82: {  	_ =	shalt  }
0x83: {  	_ =	shalt  }
0x84: {  	_ =	shalt  }
0x85: {  	_ =	shalt  }
0x86: {  	_ =	shalt  }
0x87: {  	_ =	shalt  }
.Lfunc_end0:
.L_simem_size_0:
called_computation_lowered:
.L_overlay_start_0:
0x88: {  	s2 =	sld [smem:$0x3FD9]  }
0x89: {  	s3 =	sld [smem:$0x3FFE];
	_ =	sdelay $0x1  }
0x8a: {  	s1 =	srdreg.scid  }
0x8b: {  	s0 =	sand.u32 $0x1, s1  }
0x8c: {  	s18 =	sshll.u32 s0, $0xA;
	s2 =	sadd.s32 s3, s2  }
0x8d: {  	s2 =	sadd.s32 s2, s18  }
0x8e: {  	[smem:$0x3FC4] =	sst s2  }
0x8f: {  	_ = 	snop  }
0x90: {  	s2 =	sld [smem:$0x3FC9]  }
0x91: {  	s19 =	sld [smem:$0x3FC8]  }
0x92: {  	s4 =	sld [smem:$0x3FC7]  }
0x93: {  	s5 =	sld [smem:$0x3FC6]  }
0x94: {  	s6 =	sld [smem:$0x3FD0];
	(tm) =	ssettm $0x1  }
0x95: {  	s7 =	sld [smem:$0x3FFB];
	_ =	sdelay $0x3  }
0x96: {  	_ =	strace s7  }
0x97: {  	s7 =	sld [smem:$0x3FFC];
	_ =	sdelay $0x3  }
0x98: {  	_ =	strace s7  }
0x99: {  	s7 =	sld [smem:$0x3FFD];
	_ =	sdelay $0x3  }
0x9a: {  	_ =	strace s7  }
0x9b: {  	_ =	strace $0x8FFFFFFF  }
0x9c: {  	s20 =	sld [smem:$0x3FDB];
	_ =	sdelay $0x1  }
0x9d: {  	s8 =	simm.s32 $_scs_section_size  }
0x9e: {  	s9 =	simm.s32 $_size__tile_overlayer_lowered;
	s10 =	simm.s32 $_tile_overlayer_lowered  }
0x9f: {  	s23 =	simm.s32 $0x1BFF;
	s22 =	sshll.u32 s10, $0x1;
	s7 =	sadd.s32 s8, s20  }
0xa0: {  	s11 =	simm.s32 $0x0;
	s21 =	sshll.u32 s9, $0x1;
	s9 =	sadd.s32 s22, s7  }
0xa1: {  	[timem:s11], [sflag:s23] =	dma.local [hbm:s9], s21  }
0xa2: {  	_ =	swait.ge [sflag:s23], s21  }
0xa3: {  	s8 =	ssub.s32 $0x0, s21;
	[sflag:s23] =	ssyncset.done $0x0  }
0xa4: {  	[sflag:s23] =	ssyncadd.s32 s8;
	_ =	sdelay $0x1  }
0xa5: {  	s24 =	simm.s32 $0x1B8B  }
0xa6: {  	_ =	swait.ge [sflag:s24], $0x1  }
0xa7: {  	[sflag:s24] =	ssyncset.done $0x0  }
0xa8: {  	s25 =	simm.s32 $0x1B8E;
	[sflag:s24] =	ssyncadd.s32 $0xFFFFFFFF  }
0xa9: {  	s26 =	simm.s32 $execute0_lowered;
	[smem:$0x3FD2] =	sst s25  }
0xaa: {  	s8 =	sshll.u32 s26, $0x1;
	_ =	strace $0x80000046;
	[dreg:$0x1] =	wrdreg $0xFFFFFFFF  }
0xab: {  	s28 =	simm.s32 $_size_execute0_lowered;
	s7 =	sadd.s32 s7, s8;
	[dreg:$0x0] =	wrdreg $0x0  }
0xac: {  	s8 =	sshll.u32 s28, $0x1;
	[dreg:$0x2] =	wrdreg s7  }
0xad: {  	[dreg:$0x3] =	wrdreg s8  }
0xae: {  	[dreg:$0x4] =	wrdreg $0xC0  }
0xaf: {  	_ =	task [dreg:s11], $0x5FFFF  }
0xb0: {  	[dreg:$0x1] =	wrdreg $0xFFFFFFFF  }
0xb1: {  	[dreg:$0x0] =	wrdreg $0x60  }
0xb2: {  	[dreg:$0x2] =	wrdreg s2  }
0xb3: {  	[dreg:$0x3] =	wrdreg s19  }
0xb4: {  	[dreg:$0x4] =	wrdreg s4  }
0xb5: {  	[dreg:$0x5] =	wrdreg s5  }
0xb6: {  	[dreg:$0x6] =	wrdreg s6  }
0xb7: {  	[dreg:$0x7] =	wrdreg $0x0  }
0xb8: {  	[dreg:$0x8] =	wrdreg $0x9  }
0xb9: {  	_ =	task.clear_ibuf [dreg:s11], $0x9FFFF;
	_ =	strace $0x90000046  }
0xba: {  	s29 =	simm.s32 $0x9;
	_ =	strace $0x80000048  }
0xbb: {  	_ =	swait.ge [sflag:s29], $0x1  }
0xbc: {  	[sflag:s29] =	ssyncadd.s32 $0xFFFFFFFF  }
0xbd: {  	_ =	strace $0x90000048  }
0xbe: {  	_ =	sfence  }
0xbf: {  	s30 =	sld [smem:$0x0];
	_ =	sdelay $0x2  }
0xc0: {  	s31 =	sshll.u32 s1, $0xD;
	s1 =	sshrl.u32 s1, $0x2  }
0xc1: {  	s3 =	sand.u32 $0x4000, s31;
	s1 =	sadd.s32 s1, s30  }
0xc2: {  	s0 =	sor.u32 s3, s0;
	s1 =	sshll.u32 s1, $0x11  }
0xc3: {  	s0 =	sor.u32 s1, s0  }
0xc4: {  	s0 =	sadd.s32 $0x8F2B, s0  }
0xc5: {  	[sflag:s0] =	ssyncadd.remote.s32 $0x1  }
0xc6: {  	_ =	sfence.sel $0xFFFF  }
0xc7: {  	[dreg:$0x0] =	wrdreg $0xFFFFFFFF;
	(pc) =	sbr.abs _section_cstart, $3  }
0xc8: {  	[dreg:$0x1] =	wrdreg $0xFFFFFFFF  }
0xc9: {  	_ =	task.clear_ibuf [dreg:s11], $0x2FFFF;
	_ =	strace $0x9FFFFFFF  }
0xca: {  	(tm) =	ssettm $0x7FFFFFFF  }
0xcb: {  	_ =	shalt  }
tec
execute0_lowered:
.L_overlay_start_1:
0x0: {  	(tag) =	ssettag $0x1  }
0x1: {  	s0 =	rddreg [dreg:$0x0]  }
0x2: {  	s12 =	rddreg [dreg:$0x1]  }
0x3: {  	s13 =	rddreg [dreg:$0x2]  }
0x4: {  	s4 =	rddreg [dreg:$0x3]  }
0x5: {  	s3 =	rddreg [dreg:$0x4]  }
0x6: {  	s1 =	rddreg [dreg:$0x5];
	s14 =	srdreg.scid  }
0x7: {  	s15 =	stileid.u32;
	s2 =	simm.s32 $0x0;
	[dreg:$0x7] =	wrdreg s0  }
0x8: {  	p5 =	por $0x0, $0x0;
	[dreg:$0x8] =	wrdreg s12;
	s0 =	sand.u32 $0x1, s14  }
0x9: {  	[dreg:$0x9] =	wrdreg s13;
	s5 =	sshll.u32 s15, $0xA;
	s6 =	sshll.u32 s0, $0x9  }
0xa: {  	[smem:$0x7FF] =	sst s2;
	s8 =	sadd.s32 $0x100, s1;
	s5 =	sor.u32 s6, s5  }
0xb: {  	p0 =	seq.s32 s15, $0x2;
	_ =	strace $0x80000047;
	s6 =	sshrl.u32 s5, $0x3  }
0xc: {  	s7 =	sor.u32 $0x40, s5;
	s10 =	sor.u32 $0xC0, s5;
	s12 =	sor.u32 $0x100, s5  }
0xd: {  	s21 =	sor.u32 $0x140, s5;
	s13 =	sor.u32 $0x180, s5;
	s6 =	sadd.s32 s4, s6  }
0xe: {  	s9 =	sshrl.u32 s7, $0x3;
	s11 =	sshrl.u32 s10, $0x3;
	s19 =	sshrl.u32 s12, $0x3  }
0xf: {  	s14 =	sshrl.u32 s13, $0x3;
	[dreg:$0xa] =	wrdreg s6;
	s16 =	sadd.s32 s4, s9  }
0x10: {  	s9 =	sor.u32 $0x80, s5;
	s18 =	sadd.s32 s4, s11;
	[dreg:$0xb] =	wrdreg s16  }
0x11: {  	s20 =	sadd.s32 s4, s19;
	s23 =	sadd.s32 s4, s14;
	[dreg:$0xd] =	wrdreg s18  }
0x12: {  	s17 =	sshrl.u32 s9, $0x3;
	[dreg:$0xe] =	wrdreg s20;
	s16 =	sor.u32 $0x1C0, s5  }
0x13: {  	[dreg:$0x10] =	wrdreg s23;
	s5 =	sshll.u32 s5, $0x4;
	s6 =	sadd.s32 s4, s17  }
0x14: {  	s26 =	sshll.u32 s7, $0x4;
	s25 =	sadd.s32 s3, s5;
	[dreg:$0xc] =	wrdreg s6  }
0x15: {  	s14 =	sshll.u32 s12, $0x4;
	s5 =	sadd.s32 s3, s26;
	[dreg:$0x12] =	wrdreg s25  }
0x16: {  	s18 =	sshll.u32 s21, $0x4;
	s17 =	sadd.s32 s3, s14;
	[dreg:$0x13] =	wrdreg s5  }
0x17: {  	s22 =	sshrl.u32 s21, $0x3;
	s19 =	sadd.s32 s3, s18;
	[dreg:$0x16] =	wrdreg s17  }
0x18: {  	s24 =	sshrl.u32 s16, $0x3;
	s6 =	sadd.s32 s4, s22;
	[dreg:$0x17] =	wrdreg s19  }
0x19: {  	p3 =	seq.s32 @!p0 s15, $0x1;
	s4 =	sadd.s32 s4, s24;
	[dreg:$0xf] =	wrdreg s6  }
0x1a: {  	[dreg:$0x11] =	wrdreg s4;
	s6 =	sshll.u32 s9, $0x4;
	s4 =	sshrl.u32 @p0 s8, $0x3  }
0x1b: {  	s9 =	sshll.u32 s10, $0x4;
	s7 =	sadd.s32 s3, s6;
	[dreg:$0x1a] =	wrdreg s4  }
0x1c: {  	p2 =	por p3, p0;
	s10 =	sadd.s32 s3, s9;
	[dreg:$0x14] =	wrdreg s7  }
0x1d: {  	p1 =	por !p3, p0;
	p4 =	sne.s32 @!p2 s15, $0x0;
	[dreg:$0x15] =	wrdreg s10  }
0x1e: {  	p2 =	por @!p0 p4, p3;
	s20 =	sshll.u32 s13, $0x4;
	s5 =	rddreg [dreg:$0x1a]  }
0x1f: {  	s21 =	sshll.u32 s16, $0x4;
	s4 =	sadd.s32 s3, s20;
	s7 =	rddreg [dreg:$0x9]  }
0x20: {  	p2 =	por p2, p0;
	s3 =	sadd.s32 s3, s21;
	[dreg:$0x18] =	wrdreg s4  }
0x21: {  	[dreg:$0x19] =	wrdreg s3;
	s3 =	simm.s32 @p0 $0x1C81;
	s4 =	sadd.s32 $0x80, s1  }
0x22: {  	[spmem:s5], [sflag:s3] =	dma.local @p0 [hbm:s7], $0x10  }
0x23: {  	s4 =	sshrl.u32 @!p1 s4, $0x3;
	s3 =	simm.s32 @!p1 $0x1C41;
	s6 =	rddreg [dreg:$0x8]  }
0x24: {  	[spmem:s4], [sflag:s3] =	dma.local @!p1 [hbm:s6], $0x10  }
0x25: {  	s6 =	sshrl.u32 @!p2 s1, $0x3;
	s3 =	simm.s32 @!p2 $0x1C01;
	s8 =	rddreg [dreg:$0x7]  }
0x26: {  	[spmem:s6], [sflag:s3] =	dma.local @!p2 [hbm:s8], $0x10  }
0x27: {  	p3 =	por @!p0 !p4, p3;
	s8 =	simm.s32 $0x18;
	s22 =	rddreg [dreg:$0xa]  }
0x28: {  	[tilespmem:s8], [sflag:$0x2] =	stream.linear.gather [hbm4b:s22+s2], $0x40, $0x38;
	[tilespmem:$0x10218] =	vst v63  }
0x29: {  	s11 =	simm.s32 $0xD8;
	s9 =	simm.s32 $0x58;
	s23 =	rddreg [dreg:$0xb]  }
0x2a: {  	[tilespmem:s9], [sflag:$0x2] =	stream.linear.gather [hbm4b:s23+s2], $0x40, $0x38;
	[tilespmem:$0x10218] =	vst v63  }
0x2b: {  	s12 =	simm.s32 $0x118;
	s10 =	simm.s32 $0x98;
	s24 =	rddreg [dreg:$0xc]  }
0x2c: {  	[tilespmem:s10], [sflag:$0x2] =	stream.linear.gather [hbm4b:s24+s2], $0x40, $0x38;
	[tilespmem:$0x10218] =	vst v63  }
0x2d: {  	p4 =	por !p3, p0;
	p3 =	sne.s32 s15, $0x0;
	s25 =	rddreg [dreg:$0xd]  }
0x2e: {  	[tilespmem:s11], [sflag:$0x2] =	stream.linear.gather [hbm4b:s25+s2], $0x40, $0x38;
	[tilespmem:$0x10218] =	vst v63  }
0x2f: {  	s15 =	simm.s32 $0x1D8;
	s13 =	simm.s32 $0x158;
	s26 =	rddreg [dreg:$0xe]  }
0x30: {  	[tilespmem:s12], [sflag:$0x2] =	stream.linear.gather [hbm4b:s26+s2], $0x40, $0x38;
	[tilespmem:$0x10218] =	vst v63  }
0x31: {  	p6 =	por @!p2 $0x0, $0x0;
	s14 =	simm.s32 $0x198;
	s3 =	rddreg [dreg:$0xf]  }
0x32: {  	[tilespmem:s13], [sflag:$0x2] =	stream.linear.gather [hbm4b:s3+s2], $0x40, $0x38;
	[tilespmem:$0x10218] =	vst v63  }
0x33: {  	p5 =	por @!p4 p6, p6;
	p4 =	por @!p1 $0x1, $0x1;
	s5 =	rddreg [dreg:$0x10]  }
0x34: {  	[tilespmem:s14], [sflag:$0x2] =	stream.linear.gather [hbm4b:s5+s2], $0x40, $0x38;
	[tilespmem:$0x10218] =	vst v63  }
0x35: {  	s16 =	simm.s32 @!p3 $0x1;
	p6 =	por p5, p5;
	s17 =	rddreg [dreg:$0x11]  }
0x36: {  	[tilespmem:s15], [sflag:$0x2] =	stream.linear.gather [hbm4b:s17+s2], $0x40, $0x38;
	[tilespmem:$0x10218] =	vst v63  }
0x37: {  	p5 =	por @!p1 p4, p4;
	p4 =	por @p0 $0x0, $0x0;
	_ =	swait.ge @!p3 [sflag:s16], $0x10  }
0x38: {  	p4 =	por @!p0 p5, p5;
	[sflag:s16] =	ssyncset.done @!p3 $0x0  }
0x39: {  	p5 =	por @!p1 $0x0, $0x0;
	s17 =	simm.s32 @p4 $0x1;
	[sflag:s16] =	ssyncadd.s32 @!p3 $0xFFFFFFF0  }
0x3a: {  	p6 =	por @!p1 p5, p5;
	p5 =	por @p0 $0x1, $0x1;
	_ =	swait.ge @p4 [sflag:s17], $0x10  }
0x3b: {  	p5 =	por @!p0 p6, p6;
	[sflag:s17] =	ssyncset.done @p4 $0x0  }
0x3c: {  	s18 =	simm.s32 @p5 $0x1;
	[sflag:s17] =	ssyncadd.s32 @p4 $0xFFFFFFF0  }
0x3d: {  	_ =	swait.ge @p5 [sflag:s18], $0x10  }
0x3e: {  	[sflag:s18] =	ssyncset.done @p5 $0x0  }
0x3f: {  	[sflag:s18] =	ssyncadd.s32 @p5 $0xFFFFFFF0  }
0x40: {  	s19 =	simm.s32 $0x2;
	[bflag:$0x0] =	sbarrier.arrive $0xFFFF  }
0x41: {  	_ =	swait.ge [sflag:s19], $0x40  }
0x42: {  	[sflag:s19] =	ssyncset.done $0x0  }
0x43: {  	s20 =	simm.s32 $0x40;
	s21 =	simm.s32 $0x218;
	[sflag:s19] =	ssyncadd.s32 $0xFFFFFFC0  }
0x44: {  	[tilespmem:s21], [sflag:$0x3] =	stream.indirect.gather [spmem:s1], $0x80, s8, s20, $0xb8;
	[tilespmem:$0x10218] =	vst v63  }
0x45: {  	_ =	swait.ge [sflag:s19], $0x40  }
0x46: {  	[sflag:s19] =	ssyncset.done $0x0  }
0x47: {  	s22 =	simm.s32 $0x2218;
	[sflag:s19] =	ssyncadd.s32 $0xFFFFFFC0  }
0x48: {  	[tilespmem:s22], [sflag:$0x3] =	stream.indirect.gather [spmem:s1], $0x80, s9, s20, $0xb8;
	[tilespmem:$0x10218] =	vst v63  }
0x49: {  	_ =	swait.ge [sflag:s19], $0x40  }
0x4a: {  	[sflag:s19] =	ssyncset.done $0x0  }
0x4b: {  	s23 =	simm.s32 $0x4218;
	[sflag:s19] =	ssyncadd.s32 $0xFFFFFFC0  }
0x4c: {  	[tilespmem:s23], [sflag:$0x3] =	stream.indirect.gather [spmem:s1], $0x80, s10, s20, $0xb8;
	[tilespmem:$0x10218] =	vst v63  }
0x4d: {  	_ =	swait.ge [sflag:s19], $0x40  }
0x4e: {  	[sflag:s19] =	ssyncset.done $0x0  }
0x4f: {  	s24 =	simm.s32 $0x6218;
	[sflag:s19] =	ssyncadd.s32 $0xFFFFFFC0  }
0x50: {  	[tilespmem:s24], [sflag:$0x3] =	stream.indirect.gather [spmem:s1], $0x80, s11, s20, $0xb8;
	[tilespmem:$0x10218] =	vst v63  }
0x51: {  	_ =	swait.ge [sflag:s19], $0x40  }
0x52: {  	[sflag:s19] =	ssyncset.done $0x0  }
0x53: {  	s25 =	simm.s32 $0x8218;
	[sflag:s19] =	ssyncadd.s32 $0xFFFFFFC0  }
0x54: {  	[tilespmem:s25], [sflag:$0x3] =	stream.indirect.gather [spmem:s1], $0x80, s12, s20, $0xb8;
	[tilespmem:$0x10218] =	vst v63  }
0x55: {  	_ =	swait.ge [sflag:s19], $0x40  }
0x56: {  	[sflag:s19] =	ssyncset.done $0x0  }
0x57: {  	s26 =	simm.s32 $0xA218;
	[sflag:s19] =	ssyncadd.s32 $0xFFFFFFC0  }
0x58: {  	[tilespmem:s26], [sflag:$0x3] =	stream.indirect.gather [spmem:s1], $0x80, s13, s20, $0xb8;
	[tilespmem:$0x10218] =	vst v63  }
0x59: {  	_ =	swait.ge [sflag:s19], $0x40  }
0x5a: {  	[sflag:s19] =	ssyncset.done $0x0  }
0x5b: {  	s28 =	simm.s32 $0xC218;
	[sflag:s19] =	ssyncadd.s32 $0xFFFFFFC0  }
0x5c: {  	[tilespmem:s28], [sflag:$0x3] =	stream.indirect.gather [spmem:s1], $0x80, s14, s20, $0xb8;
	[tilespmem:$0x10218] =	vst v63  }
0x5d: {  	_ =	swait.ge [sflag:s19], $0x40  }
0x5e: {  	[sflag:s19] =	ssyncset.done $0x0  }
0x5f: {  	s29 =	simm.s32 $0xE218;
	s30 =	simm.s32 $0x3;
	[sflag:s19] =	ssyncadd.s32 $0xFFFFFFC0  }
0x60: {  	[tilespmem:s29], [sflag:$0x3] =	stream.indirect.gather [spmem:s1], $0x80, s15, s20, $0xb8;
	[tilespmem:$0x10218] =	vst v63  }
0x61: {  	_ =	swait.ge [sflag:s30], $0x2000  }
0x62: {  	[sflag:s30] =	ssyncset.done $0x0  }
0x63: {  	s31 =	rddreg [dreg:$0x12];
	[sflag:s30] =	ssyncadd.s32 $0xFFFFE000  }
0x64: {  	[hbm4b:s31+s2] =	stream.linear.scatter [tilespmem:s21], [sflag:$0x4], $0x2000, $0x38;
	[tilespmem:$0x10218] =	vst v63  }
0x65: {  	_ =	swait.ge [sflag:s30], $0x2000  }
0x66: {  	[sflag:s30] =	ssyncset.done $0x0  }
0x67: {  	s31 =	rddreg [dreg:$0x13];
	[sflag:s30] =	ssyncadd.s32 $0xFFFFE000  }
0x68: {  	[hbm4b:s31+s2] =	stream.linear.scatter [tilespmem:s22], [sflag:$0x4], $0x2000, $0x38;
	[tilespmem:$0x10218] =	vst v63  }
0x69: {  	_ =	swait.ge [sflag:s30], $0x2000  }
0x6a: {  	[sflag:s30] =	ssyncset.done $0x0  }
0x6b: {  	s31 =	rddreg [dreg:$0x14];
	[sflag:s30] =	ssyncadd.s32 $0xFFFFE000  }
0x6c: {  	[hbm4b:s31+s2] =	stream.linear.scatter [tilespmem:s23], [sflag:$0x4], $0x2000, $0x38;
	[tilespmem:$0x10218] =	vst v63  }
0x6d: {  	_ =	swait.ge [sflag:s30], $0x2000  }
0x6e: {  	[sflag:s30] =	ssyncset.done $0x0  }
0x6f: {  	s31 =	rddreg [dreg:$0x15];
	[sflag:s30] =	ssyncadd.s32 $0xFFFFE000  }
0x70: {  	[hbm4b:s31+s2] =	stream.linear.scatter [tilespmem:s24], [sflag:$0x4], $0x2000, $0x38;
	[tilespmem:$0x10218] =	vst v63  }
0x71: {  	_ =	swait.ge [sflag:s30], $0x2000  }
0x72: {  	[sflag:s30] =	ssyncset.done $0x0  }
0x73: {  	s31 =	rddreg [dreg:$0x16];
	[sflag:s30] =	ssyncadd.s32 $0xFFFFE000  }
0x74: {  	[hbm4b:s31+s2] =	stream.linear.scatter [tilespmem:s25], [sflag:$0x4], $0x2000, $0x38;
	[tilespmem:$0x10218] =	vst v63  }
0x75: {  	_ =	swait.ge [sflag:s30], $0x2000  }
0x76: {  	[sflag:s30] =	ssyncset.done $0x0  }
0x77: {  	s31 =	rddreg [dreg:$0x17];
	[sflag:s30] =	ssyncadd.s32 $0xFFFFE000  }
0x78: {  	[hbm4b:s31+s2] =	stream.linear.scatter [tilespmem:s26], [sflag:$0x4], $0x2000, $0x38;
	[tilespmem:$0x10218] =	vst v63  }
0x79: {  	_ =	swait.ge [sflag:s30], $0x2000  }
0x7a: {  	[sflag:s30] =	ssyncset.done $0x0  }
0x7b: {  	s31 =	rddreg [dreg:$0x18];
	[sflag:s30] =	ssyncadd.s32 $0xFFFFE000  }
0x7c: {  	[hbm4b:s31+s2] =	stream.linear.scatter [tilespmem:s28], [sflag:$0x4], $0x2000, $0x38;
	[tilespmem:$0x10218] =	vst v63  }
0x7d: {  	_ =	swait.ge [sflag:s30], $0x2000  }
0x7e: {  	[sflag:s30] =	ssyncset.done $0x0  }
0x7f: {  	s31 =	rddreg [dreg:$0x19];
	[sflag:s30] =	ssyncadd.s32 $0xFFFFE000  }
0x80: {  	[hbm4b:s31+s2] =	stream.linear.scatter [tilespmem:s29], [sflag:$0x4], $0x2000, $0x38;
	[tilespmem:$0x10218] =	vst v63  }
0x81: {  	s31 =	simm.s32 $0x4  }
0x82: {  	_ =	swait.ge [sflag:s31], $0x2000  }
0x83: {  	[sflag:s31] =	ssyncset.done $0x0  }
0x84: {  	[sflag:s31] =	ssyncadd.s32 $0xFFFFE000  }
0x85: {  	_ =	swait.ge [sflag:s31], $0x2000  }
0x86: {  	[sflag:s31] =	ssyncset.done $0x0  }
0x87: {  	[sflag:s31] =	ssyncadd.s32 $0xFFFFE000  }
0x88: {  	_ =	swait.ge [sflag:s31], $0x2000  }
0x89: {  	[sflag:s31] =	ssyncset.done $0x0  }
0x8a: {  	[sflag:s31] =	ssyncadd.s32 $0xFFFFE000  }
0x8b: {  	_ =	swait.ge [sflag:s31], $0x2000  }
0x8c: {  	[sflag:s31] =	ssyncset.done $0x0  }
0x8d: {  	s7 =	ssub.s32 $0x2, s0;
	[sflag:s31] =	ssyncadd.s32 $0xFFFFE000  }
0x8e: {  	s0 =	sshrl.u32 s7, $0x1;
	_ =	swait.ge [sflag:s31], $0x2000  }
0x8f: {  	s0 =	ssub.s32 s7, s0;
	[sflag:s31] =	ssyncset.done $0x0  }
0x90: {  	s0 =	smax.u32 s0, $0x1;
	[sflag:s31] =	ssyncadd.s32 $0xFFFFE000  }
0x91: {  	s0 =	sadd.s32 $0xFFFFFFFF, s0;
	_ =	swait.ge [sflag:s31], $0x2000  }
0x92: {  	p6 =	sne.s32 s0, $0x0;
	[sflag:s31] =	ssyncset.done $0x0  }
.Ltmp0:
0x93: {  	[sflag:s31] =	ssyncadd.s32 $0xFFFFE000;
	(pc) =	sbr.rel @!p6 .LBB2_2-.Ltmp0, $4  }
0x94: {  	_ =	swait.ge [sflag:s31], $0x2000  }
0x95: {  	[sflag:s31] =	ssyncset.done $0x0  }
0x96: {  	[sflag:s31] =	ssyncadd.s32 $0xFFFFE000  }
0x97: {  	_ =	swait.ge [sflag:s31], $0x2000  }
.LBB2_1:
0x98: {  	s3 =	rddreg [dreg:$0x1a];
	[sflag:s31] =	ssyncset.done $0x0  }
0x99: {  	s5 =	rddreg [dreg:$0x9];
	s7 =	simm.s32 @p0 $0x1C81;
	[sflag:s31] =	ssyncadd.s32 $0xFFFFE000  }
0x9a: {  	[spmem:s3], [sflag:s7] =	dma.local @p0 [hbm:s5], $0x10  }
0x9b: {  	s5 =	simm.s32 @!p1 $0x1C41;
	s3 =	rddreg [dreg:$0x8]  }
0x9c: {  	[spmem:s4], [sflag:s5] =	dma.local @!p1 [hbm:s3], $0x10  }
0x9d: {  	s5 =	simm.s32 @!p2 $0x1C01;
	s3 =	rddreg [dreg:$0x7]  }
0x9e: {  	[spmem:s6], [sflag:s5] =	dma.local @!p2 [hbm:s3], $0x10  }
0x9f: {  	s3 =	rddreg [dreg:$0xa]  }
0xa0: {  	[tilespmem:s8], [sflag:$0x2] =	stream.linear.gather [hbm4b:s3+s2], $0x40, $0x38;
	[tilespmem:$0x10218] =	vst v63  }
0xa1: {  	s5 =	rddreg [dreg:$0xb]  }
0xa2: {  	[tilespmem:s9], [sflag:$0x2] =	stream.linear.gather [hbm4b:s5+s2], $0x40, $0x38;
	[tilespmem:$0x10218] =	vst v63  }
0xa3: {  	s3 =	rddreg [dreg:$0xc]  }
0xa4: {  	[tilespmem:s10], [sflag:$0x2] =	stream.linear.gather [hbm4b:s3+s2], $0x40, $0x38;
	[tilespmem:$0x10218] =	vst v63  }
0xa5: {  	s7 =	rddreg [dreg:$0xd]  }
0xa6: {  	[tilespmem:s11], [sflag:$0x2] =	stream.linear.gather [hbm4b:s7+s2], $0x40, $0x38;
	[tilespmem:$0x10218] =	vst v63  }
0xa7: {  	s3 =	rddreg [dreg:$0xe]  }
0xa8: {  	[tilespmem:s12], [sflag:$0x2] =	stream.linear.gather [hbm4b:s3+s2], $0x40, $0x38;
	[tilespmem:$0x10218] =	vst v63  }
0xa9: {  	s7 =	rddreg [dreg:$0xf]  }
0xaa: {  	[tilespmem:s13], [sflag:$0x2] =	stream.linear.gather [hbm4b:s7+s2], $0x40, $0x38;
	[tilespmem:$0x10218] =	vst v63  }
0xab: {  	s3 =	rddreg [dreg:$0x10]  }
0xac: {  	[tilespmem:s14], [sflag:$0x2] =	stream.linear.gather [hbm4b:s3+s2], $0x40, $0x38;
	[tilespmem:$0x10218] =	vst v63  }
0xad: {  	s7 =	rddreg [dreg:$0x11]  }
0xae: {  	[tilespmem:s15], [sflag:$0x2] =	stream.linear.gather [hbm4b:s7+s2], $0x40, $0x38;
	[tilespmem:$0x10218] =	vst v63  }
0xaf: {  	_ =	swait.ge @!p3 [sflag:s16], $0x10  }
0xb0: {  	[sflag:s16] =	ssyncset.done @!p3 $0x0  }
0xb1: {  	[sflag:s16] =	ssyncadd.s32 @!p3 $0xFFFFFFF0  }
0xb2: {  	_ =	swait.ge @p4 [sflag:s17], $0x10  }
0xb3: {  	[sflag:s17] =	ssyncset.done @p4 $0x0  }
0xb4: {  	[sflag:s17] =	ssyncadd.s32 @p4 $0xFFFFFFF0  }
0xb5: {  	_ =	swait.ge @p5 [sflag:s18], $0x10  }
0xb6: {  	[sflag:s18] =	ssyncset.done @p5 $0x0  }
0xb7: {  	[sflag:s18] =	ssyncadd.s32 @p5 $0xFFFFFFF0  }
0xb8: {  	[bflag:$0x0] =	sbarrier.arrive $0xFFFF  }
0xb9: {  	_ =	swait.ge [sflag:s19], $0x40  }
0xba: {  	[sflag:s19] =	ssyncset.done $0x0  }
0xbb: {  	[sflag:s19] =	ssyncadd.s32 $0xFFFFFFC0  }
0xbc: {  	[tilespmem:s21], [sflag:$0x3] =	stream.indirect.gather [spmem:s1], $0x80, s8, s20, $0xb8;
	[tilespmem:$0x10218] =	vst v63  }
0xbd: {  	_ =	swait.ge [sflag:s19], $0x40  }
0xbe: {  	[sflag:s19] =	ssyncset.done $0x0  }
0xbf: {  	[sflag:s19] =	ssyncadd.s32 $0xFFFFFFC0  }
0xc0: {  	[tilespmem:s22], [sflag:$0x3] =	stream.indirect.gather [spmem:s1], $0x80, s9, s20, $0xb8;
	[tilespmem:$0x10218] =	vst v63  }
0xc1: {  	_ =	swait.ge [sflag:s19], $0x40  }
0xc2: {  	[sflag:s19] =	ssyncset.done $0x0  }
0xc3: {  	[sflag:s19] =	ssyncadd.s32 $0xFFFFFFC0  }
0xc4: {  	[tilespmem:s23], [sflag:$0x3] =	stream.indirect.gather [spmem:s1], $0x80, s10, s20, $0xb8;
	[tilespmem:$0x10218] =	vst v63  }
0xc5: {  	_ =	swait.ge [sflag:s19], $0x40  }
0xc6: {  	[sflag:s19] =	ssyncset.done $0x0  }
0xc7: {  	[sflag:s19] =	ssyncadd.s32 $0xFFFFFFC0  }
0xc8: {  	[tilespmem:s24], [sflag:$0x3] =	stream.indirect.gather [spmem:s1], $0x80, s11, s20, $0xb8;
	[tilespmem:$0x10218] =	vst v63  }
0xc9: {  	_ =	swait.ge [sflag:s19], $0x40  }
0xca: {  	[sflag:s19] =	ssyncset.done $0x0  }
0xcb: {  	[sflag:s19] =	ssyncadd.s32 $0xFFFFFFC0  }
0xcc: {  	[tilespmem:s25], [sflag:$0x3] =	stream.indirect.gather [spmem:s1], $0x80, s12, s20, $0xb8;
	[tilespmem:$0x10218] =	vst v63  }
0xcd: {  	_ =	swait.ge [sflag:s19], $0x40  }
0xce: {  	[sflag:s19] =	ssyncset.done $0x0  }
0xcf: {  	[sflag:s19] =	ssyncadd.s32 $0xFFFFFFC0  }
0xd0: {  	[tilespmem:s26], [sflag:$0x3] =	stream.indirect.gather [spmem:s1], $0x80, s13, s20, $0xb8;
	[tilespmem:$0x10218] =	vst v63  }
0xd1: {  	_ =	swait.ge [sflag:s19], $0x40  }
0xd2: {  	[sflag:s19] =	ssyncset.done $0x0  }
0xd3: {  	[sflag:s19] =	ssyncadd.s32 $0xFFFFFFC0  }
0xd4: {  	[tilespmem:s28], [sflag:$0x3] =	stream.indirect.gather [spmem:s1], $0x80, s14, s20, $0xb8;
	[tilespmem:$0x10218] =	vst v63  }
0xd5: {  	_ =	swait.ge [sflag:s19], $0x40  }
0xd6: {  	[sflag:s19] =	ssyncset.done $0x0  }
0xd7: {  	[sflag:s19] =	ssyncadd.s32 $0xFFFFFFC0  }
0xd8: {  	[tilespmem:s29], [sflag:$0x3] =	stream.indirect.gather [spmem:s1], $0x80, s15, s20, $0xb8;
	[tilespmem:$0x10218] =	vst v63  }
0xd9: {  	_ =	swait.ge [sflag:s30], $0x2000  }
0xda: {  	[sflag:s30] =	ssyncset.done $0x0  }
0xdb: {  	s5 =	rddreg [dreg:$0x12];
	[sflag:s30] =	ssyncadd.s32 $0xFFFFE000  }
0xdc: {  	[hbm4b:s5+s2] =	stream.linear.scatter [tilespmem:s21], [sflag:$0x4], $0x2000, $0x38;
	[tilespmem:$0x10218] =	vst v63  }
0xdd: {  	_ =	swait.ge [sflag:s30], $0x2000  }
0xde: {  	[sflag:s30] =	ssyncset.done $0x0  }
0xdf: {  	s7 =	rddreg [dreg:$0x13];
	[sflag:s30] =	ssyncadd.s32 $0xFFFFE000  }
0xe0: {  	[hbm4b:s7+s2] =	stream.linear.scatter [tilespmem:s22], [sflag:$0x4], $0x2000, $0x38;
	[tilespmem:$0x10218] =	vst v63  }
0xe1: {  	_ =	swait.ge [sflag:s30], $0x2000  }
0xe2: {  	[sflag:s30] =	ssyncset.done $0x0  }
0xe3: {  	s5 =	rddreg [dreg:$0x14];
	[sflag:s30] =	ssyncadd.s32 $0xFFFFE000  }
0xe4: {  	[hbm4b:s5+s2] =	stream.linear.scatter [tilespmem:s23], [sflag:$0x4], $0x2000, $0x38;
	[tilespmem:$0x10218] =	vst v63  }
0xe5: {  	_ =	swait.ge [sflag:s30], $0x2000  }
0xe6: {  	[sflag:s30] =	ssyncset.done $0x0  }
0xe7: {  	s7 =	rddreg [dreg:$0x15];
	[sflag:s30] =	ssyncadd.s32 $0xFFFFE000  }
0xe8: {  	[hbm4b:s7+s2] =	stream.linear.scatter [tilespmem:s24], [sflag:$0x4], $0x2000, $0x38;
	[tilespmem:$0x10218] =	vst v63  }
0xe9: {  	_ =	swait.ge [sflag:s30], $0x2000  }
0xea: {  	[sflag:s30] =	ssyncset.done $0x0  }
0xeb: {  	s5 =	rddreg [dreg:$0x16];
	[sflag:s30] =	ssyncadd.s32 $0xFFFFE000  }
0xec: {  	[hbm4b:s5+s2] =	stream.linear.scatter [tilespmem:s25], [sflag:$0x4], $0x2000, $0x38;
	[tilespmem:$0x10218] =	vst v63  }
0xed: {  	_ =	swait.ge [sflag:s30], $0x2000  }
0xee: {  	[sflag:s30] =	ssyncset.done $0x0  }
0xef: {  	s7 =	rddreg [dreg:$0x17];
	[sflag:s30] =	ssyncadd.s32 $0xFFFFE000  }
0xf0: {  	[hbm4b:s7+s2] =	stream.linear.scatter [tilespmem:s26], [sflag:$0x4], $0x2000, $0x38;
	[tilespmem:$0x10218] =	vst v63  }
0xf1: {  	_ =	swait.ge [sflag:s30], $0x2000  }
0xf2: {  	[sflag:s30] =	ssyncset.done $0x0  }
0xf3: {  	s5 =	rddreg [dreg:$0x18];
	[sflag:s30] =	ssyncadd.s32 $0xFFFFE000  }
0xf4: {  	[hbm4b:s5+s2] =	stream.linear.scatter [tilespmem:s28], [sflag:$0x4], $0x2000, $0x38;
	[tilespmem:$0x10218] =	vst v63  }
0xf5: {  	_ =	swait.ge [sflag:s30], $0x2000  }
0xf6: {  	[sflag:s30] =	ssyncset.done $0x0  }
0xf7: {  	s7 =	rddreg [dreg:$0x19];
	[sflag:s30] =	ssyncadd.s32 $0xFFFFE000  }
0xf8: {  	[hbm4b:s7+s2] =	stream.linear.scatter [tilespmem:s29], [sflag:$0x4], $0x2000, $0x38;
	[tilespmem:$0x10218] =	vst v63  }
0xf9: {  	_ =	swait.ge [sflag:s31], $0x2000  }
0xfa: {  	[sflag:s31] =	ssyncset.done $0x0  }
0xfb: {  	[sflag:s31] =	ssyncadd.s32 $0xFFFFE000  }
0xfc: {  	_ =	swait.ge [sflag:s31], $0x2000  }
0xfd: {  	[sflag:s31] =	ssyncset.done $0x0  }
0xfe: {  	[sflag:s31] =	ssyncadd.s32 $0xFFFFE000  }
0xff: {  	_ =	swait.ge [sflag:s31], $0x2000  }
0x100: {  	[sflag:s31] =	ssyncset.done $0x0  }
0x101: {  	[sflag:s31] =	ssyncadd.s32 $0xFFFFE000  }
0x102: {  	_ =	swait.ge [sflag:s31], $0x2000  }
0x103: {  	[sflag:s31] =	ssyncset.done $0x0  }
0x104: {  	[sflag:s31] =	ssyncadd.s32 $0xFFFFE000  }
0x105: {  	_ =	swait.ge [sflag:s31], $0x2000  }
0x106: {  	[sflag:s31] =	ssyncset.done $0x0  }
0x107: {  	[sflag:s31] =	ssyncadd.s32 $0xFFFFE000  }
0x108: {  	s0 =	sadd.s32 $0xFFFFFFFF, s0;
	_ =	swait.ge [sflag:s31], $0x2000  }
0x109: {  	p6 =	sne.s32 s0, $0x0;
	[sflag:s31] =	ssyncset.done $0x0  }
.Ltmp1:
0x10a: {  	[sflag:s31] =	ssyncadd.s32 $0xFFFFE000;
	(pc) =	sbr.rel @p6 .LBB2_1-.Ltmp1, $4  }
0x10b: {  	_ =	swait.ge [sflag:s31], $0x2000  }
0x10c: {  	[sflag:s31] =	ssyncset.done $0x0  }
0x10d: {  	[sflag:s31] =	ssyncadd.s32 $0xFFFFE000  }
0x10e: {  	_ =	swait.ge [sflag:s31], $0x2000  }
.LBB2_2:
0x10f: {  	[sflag:s31] =	ssyncset.done $0x0  }
0x110: {  	[sflag:s31] =	ssyncadd.s32 $0xFFFFE000  }
0x111: {  	_ =	sfence.sel $0x180000  }
0x112: {  	[bflag:$0x0] =	sbarrier.arrive $0xFFFF  }
0x113: {  	_ =	strace $0x90000047  }
0x114: {  	[bflag:$0x2] =	sbarrier.arrive $0xFFFF  }
0x115: {  	s0 =	rddreg [dreg:$0x6]  }
0x116: {  	s0 =	sadd.s32 @!p3 $0x100000, s0  }
0x117: {  	[sflag:s0] =	ssyncadd.tile.s32 @!p3 $0x1;
	_ =	shalt  }
.Lfunc_end2:
_tile_overlayer_lowered:
.L_overlay_start_2:
0x118: {  	(tag) =	ssettag $0x2  }
0x119: {  	s0 =	rddreg [dreg:$0x0];
	s2 =	stileid.u32  }
0x11a: {  	s1 =	rddreg [dreg:$0x1];
	p0 =	sne.s32 s2, $0x0  }
0x11b: {  	s3 =	rddreg [dreg:$0x2];
	[bflag:$0x3] =	sbarrier.arrive $0xFFFF;
	s2 =	simm.s32 @!p0 $0x1C05  }
0x11c: {  	[timem:s3], [sflag:s2] =	dma.local @!p0 [hbm:s0], s1  }
0x11d: {  	s0 =	simm.s32 @!p0 $0x5  }
0x11e: {  	_ =	swait.ge @!p0 [sflag:s0], s1  }
0x11f: {  	s1 =	ssub.s32 @!p0 $0x0, s1;
	[sflag:s0] =	ssyncset.done @!p0 $0x0  }
0x120: {  	[sflag:s0] =	ssyncadd.s32 @!p0 s1  }
0x121: {  	[bflag:$0x3] =	sbarrier.arrive $0xFFFF  }
0x122: {  	_ =	shalt  }

</sc_bundles>
